<compile_context>
chip_gen: v7x
topology: tpu7x:2x2x1
jax: 0.10.2.dev20260603
libtpu: 0.0.44.dev20260713+nightly
codegen_flags: <defaults>
</compile_context>

<pallas_src>
import functools

import jax
import jax.numpy as jnp
from jax import lax
from jax.experimental import pallas as pl
from jax.experimental.pallas import tpu as pltpu
from jax.experimental.pallas import tpu_sc as plsc

N = 10000
E = 320000
D = 128
H1 = 512
H2 = 256

CHUNK = 80
GRP = 5
NGRP = E // (CHUNK * GRP)
NTILES = 16
WRT = 624
WTAIL = N - NTILES * WRT


def _sc_agg_body(x_hbm, edge_sj_hbm, edge_sr_hbm, zeros_hbm, out_hbm,
                 eidx, rows3, acc_sh, isem, gsem, ssem):
    r = lax.axis_index("c")
    s = lax.axis_index("s")
    n_my = (NGRP - 1 - s) // NTILES + 1
    t_total = n_my * GRP

    zstart = s * WRT
    pltpu.sync_copy(zeros_hbm.at[pl.ds(0, WRT)], acc_sh.at[pl.ds(zstart, WRT)])

    @pl.when(s == NTILES - 1)
    def _():
        pltpu.sync_copy(zeros_hbm.at[pl.ds(0, WTAIL)],
                        acc_sh.at[pl.ds(NTILES * WRT, WTAIL)])

    def _run(edge_hbm):
        pltpu.sync_copy(edge_hbm.at[:, s], eidx.at[0])
        pltpu.sync_copy(edge_hbm.at[:, NTILES + s], eidx.at[1])
        plsc.subcore_barrier()

        pltpu.async_copy(x_hbm.at[eidx.at[0, 0, 0]], rows3.at[0], gsem)
        pltpu.async_copy(x_hbm.at[eidx.at[0, 0, 1]], rows3.at[1], gsem)
        pltpu.async_copy(x_hbm.at[eidx.at[0, 0, 2]], rows3.at[2], gsem)

        def _step(t, carry):
            i, j = lax.div(t, GRP), lax.rem(t, GRP)
            b = lax.rem(t, 4)
            ib = lax.rem(i, 3)
            pltpu.make_async_copy(x_hbm.at[pl.ds(0, CHUNK)],
                                  rows3.at[b], gsem).wait()
            pltpu.async_copy(rows3.at[b], acc_sh.at[eidx.at[ib, 1, j]],
                             ssem, add=True)

            @pl.when(t + 3 < t_total)
            def _():
                @pl.when(t >= 1)
                def _():
                    pltpu.make_async_copy(x_hbm.at[pl.ds(0, CHUNK)],
                                          rows3.at[0], ssem).wait()

                @pl.when(jnp.logical_and(j == 0, i + 2 < n_my))
                def _():
                    g = (i + 2) * NTILES + s
                    pltpu.async_copy(edge_hbm.at[:, g],
                                     eidx.at[lax.rem(i + 2, 3)], isem)

                tn = t + 3
                i2, j2 = lax.div(tn, GRP), lax.rem(tn, GRP)

                @pl.when(jnp.logical_and(j2 == 0, i2 >= 2))
                def _():
                    pltpu.make_async_copy(edge_hbm.at[:, s], eidx.at[0],
                                          isem).wait()

                pltpu.async_copy(x_hbm.at[eidx.at[lax.rem(i2, 3), 0, j2]],
                                 rows3.at[lax.rem(tn, 4)], gsem)

            return carry

        lax.fori_loop(0, t_total, _step, 0)
        for _ in range(4):
            pltpu.make_async_copy(x_hbm.at[pl.ds(0, CHUNK)],
                                  rows3.at[0], ssem).wait()

    @pl.when(r == 0)
    def _():
        _run(edge_sj_hbm)

    @pl.when(r == 1)
    def _():
        _run(edge_sr_hbm)

    plsc.subcore_barrier()

    pltpu.sync_copy(acc_sh.at[pl.ds(zstart, WRT)],
                    out_hbm.at[r, pl.ds(zstart, WRT)])

    @pl.when(s == NTILES - 1)
    def _():
        pltpu.sync_copy(acc_sh.at[pl.ds(NTILES * WRT, WTAIL)],
                        out_hbm.at[r, pl.ds(NTILES * WRT, WTAIL)])


_sc_agg = functools.partial(
    pl.kernel,
    out_type=jax.ShapeDtypeStruct((2, N, D), jnp.float32),
    mesh=plsc.VectorSubcoreMesh(core_axis_name="c", subcore_axis_name="s"),
    scratch_types=[
        pltpu.VMEM((3, 2, GRP, CHUNK), jnp.int32),
        pltpu.VMEM((4, CHUNK, D), jnp.float32),
        pltpu.VMEM_SHARED((N, D), jnp.float32),
        pltpu.SemaphoreType.DMA,
        pltpu.SemaphoreType.DMA,
        pltpu.SemaphoreType.DMA,
    ],
)(_sc_agg_body)


RB = 2000


def _tc_epilogue_body(aggj_ref, xj_ref, aggr_ref, xr_ref,
                      wrelj_ref, wrootj_ref, bj_ref,
                      wrelr_ref, wrootr_ref, br_ref,
                      wm1a_ref, wm1b_ref, bm1_ref,
                      wm2_ref, bm2_ref, wm3_ref, bm3_ref, out_ref):
    f32 = jnp.float32
    bf16 = jnp.bfloat16
    hj = (jnp.dot(aggj_ref[...], wrelj_ref[...], preferred_element_type=f32)
          + jnp.dot(xj_ref[...], wrootj_ref[...], preferred_element_type=f32)
          + bj_ref[...])
    hj = jnp.maximum(hj, 0.0)
    hr = (jnp.dot(aggr_ref[...], wrelr_ref[...], preferred_element_type=f32)
          + jnp.dot(xr_ref[...], wrootr_ref[...], preferred_element_type=f32)
          + br_ref[...])
    hr = jnp.maximum(hr, 0.0)
    h1 = (jnp.dot(hj.astype(bf16), wm1a_ref[...], preferred_element_type=f32)
          + jnp.dot(hr.astype(bf16), wm1b_ref[...], preferred_element_type=f32)
          + bm1_ref[...])
    h1 = jnp.maximum(h1, 0.0)
    h2 = jnp.maximum(
        jnp.dot(h1.astype(bf16), wm2_ref[...], preferred_element_type=f32)
        + bm2_ref[...],
        0.0)
    out_ref[...] = (jnp.sum(h2 * wm3_ref[...], axis=1, keepdims=True)
                    + bm3_ref[...])


def _full_spec(shape):
    return pl.BlockSpec(shape, lambda i: (0,) * len(shape))


def _row_spec():
    return pl.BlockSpec((RB, D), lambda i: (i, 0))


_tc_epilogue = pl.pallas_call(
    _tc_epilogue_body,
    grid=(N // RB,),
    in_specs=[
        _row_spec(), _row_spec(), _row_spec(), _row_spec(),
        _full_spec((D, D)), _full_spec((D, D)), _full_spec((1, D)),
        _full_spec((D, D)), _full_spec((D, D)), _full_spec((1, D)),
        _full_spec((D, H1)), _full_spec((D, H1)), _full_spec((1, H1)),
        _full_spec((H1, H2)), _full_spec((1, H2)),
        _full_spec((1, H2)), _full_spec((1, 1)),
    ],
    out_specs=pl.BlockSpec((RB, 1), lambda i: (i, 0)),
    out_shape=jax.ShapeDtypeStruct((N, 1), jnp.float32),
)


def kernel(x_skill, x_job, x_resume, edge_index_skill_job,
           edge_index_skill_resume, W_rel_sj, b_rel_sj, W_root_sj, W_rel_sr,
           b_rel_sr, W_root_sr, Wm1, bm1, Wm2, bm2, Wm3, bm3):
    edge_sj = edge_index_skill_job.reshape(2, NGRP, GRP, CHUNK)
    edge_sr = edge_index_skill_resume.reshape(2, NGRP, GRP, CHUNK)
    zeros = jnp.zeros((WRT, D), jnp.float32)
    agg = _sc_agg(x_skill, edge_sj, edge_sr, zeros)

    out = _tc_epilogue(
        agg[0], x_job, agg[1], x_resume,
        W_rel_sj.T, W_root_sj.T, b_rel_sj.reshape(1, D),
        W_rel_sr.T, W_root_sr.T, b_rel_sr.reshape(1, D),
        Wm1.T[:D].astype(jnp.bfloat16), Wm1.T[D:].astype(jnp.bfloat16),
        bm1.reshape(1, H1),
        Wm2.T.astype(jnp.bfloat16), bm2.reshape(1, H2),
        Wm3, bm3.reshape(1, 1),
    )
    return out.reshape(N)

# --- scband reference (transcript-rebuilt; emitter-appended) ---
"""Pipeline reference for scband-simple-gcnmodel-38362647888477 (READ-ONLY COPY).

The authoritative reference and input builder live on the scoring server;
editing this copy changes nothing except your own understanding.
"""

import jax, jax.numpy as jnp
import numpy as np

N = 10000
E = 320000
D = 128
H1 = 512
H2 = 256


def setup_inputs(seed: int = 0) -> dict:
    key = jax.random.key(seed)
    ks = jax.random.split(key, 20)
    x_skill = jax.random.normal(ks[0], (N, D), dtype=jnp.float32)
    x_job = jax.random.normal(ks[1], (N, D), dtype=jnp.float32)
    x_resume = jax.random.normal(ks[2], (N, D), dtype=jnp.float32)
    edge_index_skill_job = jax.random.randint(ks[3], (2, E), 0, N, dtype=jnp.int32)
    edge_index_skill_resume = jax.random.randint(ks[4], (2, E), 0, N, dtype=jnp.int32)
    s = 1.0 / np.sqrt(D)
    # GraphConv('skill','to','job'): out = lin_rel(sum_j x_j) + lin_root(x_dst)
    W_rel_sj = jax.random.uniform(ks[5], (D, D), jnp.float32, -s, s)
    b_rel_sj = jax.random.uniform(ks[6], (D,), jnp.float32, -s, s)
    W_root_sj = jax.random.uniform(ks[7], (D, D), jnp.float32, -s, s)
    W_rel_sr = jax.random.uniform(ks[8], (D, D), jnp.float32, -s, s)
    b_rel_sr = jax.random.uniform(ks[9], (D,), jnp.float32, -s, s)
    W_root_sr = jax.random.uniform(ks[10], (D, D), jnp.float32, -s, s)
    # MLP: Linear(2D, H1) -> ReLU -> Linear(H1, H2) -> ReLU -> Linear(H2, 1)
    s1 = 1.0 / np.sqrt(2 * D)
    Wm1 = jax.random.uniform(ks[11], (H1, 2 * D), jnp.float32, -s1, s1)
    bm1 = jax.random.uniform(ks[12], (H1,), jnp.float32, -s1, s1)
    s2 = 1.0 / np.sqrt(H1)
    Wm2 = jax.random.uniform(ks[13], (H2, H1), jnp.float32, -s2, s2)
    bm2 = jax.random.uniform(ks[14], (H2,), jnp.float32, -s2, s2)
    s3 = 1.0 / np.sqrt(H2)
    Wm3 = jax.random.uniform(ks[15], (1, H2), jnp.float32, -s3, s3)
    bm3 = jax.random.uniform(ks[16], (1,), jnp.float32, -s3, s3)
    return {
        "x_skill": x_skill, "x_job": x_job, "x_resume": x_resume,
        "edge_index_skill_job": edge_index_skill_job,
        "edge_index_skill_resume": edge_index_skill_resume,
        "W_rel_sj": W_rel_sj, "b_rel_sj": b_rel_sj, "W_root_sj": W_root_sj,
        "W_rel_sr": W_rel_sr, "b_rel_sr": b_rel_sr, "W_root_sr": W_root_sr,
        "Wm1": Wm1, "bm1": bm1, "Wm2": Wm2, "bm2": bm2, "Wm3": Wm3, "bm3": bm3,
    }


def _graph_conv(x_src, x_dst, edge_index, W_rel, b_rel, W_root):
    # PyG GraphConv, aggr='add': msg = sum over incoming edges of x_src[src]
    msgs = jnp.take(x_src, edge_index[0], axis=0)
    agg = jax.ops.segment_sum(msgs, edge_index[1], num_segments=x_dst.shape[0])
    return agg @ W_rel.T + b_rel + x_dst @ W_root.T


def reference(x_skill, x_job, x_resume, edge_index_skill_job, edge_index_skill_resume,
              W_rel_sj, b_rel_sj, W_root_sj, W_rel_sr, b_rel_sr, W_root_sr,
              Wm1, bm1, Wm2, bm2, Wm3, bm3):
    # HeteroConv with one relation per dst type; aggr='mean' across relations is a no-op here
    h_job = _graph_conv(x_skill, x_job, edge_index_skill_job, W_rel_sj, b_rel_sj, W_root_sj)
    h_resume = _graph_conv(x_skill, x_resume, edge_index_skill_resume, W_rel_sr, b_rel_sr, W_root_sr)
    h_job = jax.nn.relu(h_job)
    h_resume = jax.nn.relu(h_resume)
    combined = jnp.concatenate([h_job, h_resume], axis=1)
    h = jax.nn.relu(combined @ Wm1.T + bm1)  # dropout inactive at eval
    h = jax.nn.relu(h @ Wm2.T + bm2)
    score = (h @ Wm3.T + bm3).squeeze()
    return score

if __name__ == "__main__":
    import jax
    _d = setup_inputs()
    print(jax.jit(kernel)(*tuple(_d.values())))

</pallas_src>

<mosaic_0001>
#map = affine_map<(d0, d1) -> (0, 0)>
#map1 = affine_map<(d0, d1) -> (0, 0, 0, 0)>
#map2 = affine_map<(d0, d1) -> (0, 0, 0)>
module attributes {stable_mosaic.version = 14 : i64} {
  func.func @_sc_agg_body(%arg0: i32, %arg1: i32, %arg2: memref<10000x128xf32, #tpu.memory_space<hbm>>, %arg3: memref<2x800x5x80xi32, #tpu.memory_space<hbm>>, %arg4: memref<2x800x5x80xi32, #tpu.memory_space<hbm>>, %arg5: memref<624x128xf32, #tpu.memory_space<hbm>>, %arg6: memref<2x10000x128xf32, #tpu.memory_space<hbm>>, %arg7: memref<3x2x5x80xi32, #tpu.memory_space<vmem>>, %arg8: memref<4x80x128xf32, #tpu.memory_space<vmem>>, %arg9: memref<10000x128xf32, #tpu.memory_space<vmem_shared>>, %arg10: memref<!tpu.dma_semaphore, #tpu.memory_space<semaphore_mem>>, %arg11: memref<!tpu.dma_semaphore, #tpu.memory_space<semaphore_mem>>, %arg12: memref<!tpu.dma_semaphore, #tpu.memory_space<semaphore_mem>>) attributes {dimension_semantics = [#tpu.dimension_semantics<core_parallel>, #tpu.dimension_semantics<subcore_parallel>], iteration_bounds = array<i64: 2, 16>, scalar_prefetch = 0 : i64, scratch_operands = 6 : i64, tpu.core_type = #tpu.core_type<sc_vector_subcore>, window_params = [{transform_indices = #map}, {transform_indices = #map1}, {transform_indices = #map1}, {transform_indices = #map}, {transform_indices = #map2}]} {
    %sub3A = arith.constant 799 : i32
    %sub3A_0 = arith.subi %sub3A, %arg1 : i32
    %jit3A = arith.constant 16 : i32
    %div3A = arith.divsi %sub3A_0, %jit3A : i32
    %sign3A = arith.constant 0 : i32
    %sign3A_1 = arith.cmpi sgt, %sub3A_0, %sign3A : i32
    %sign3A_2 = arith.extui %sign3A_1 : i1 to i32
    %sign3A_3 = arith.constant 0 : i32
    %sign3A_4 = arith.cmpi slt, %sub3A_0, %sign3A_3 : i32
    %sign3A_5 = arith.extui %sign3A_4 : i1 to i32
    %sign3A_6 = arith.subi %sign3A_2, %sign3A_5 : i32
    %sign3A_7 = arith.constant 0 : i32
    %sign3A_8 = arith.cmpi sgt, %jit3A, %sign3A_7 : i32
    %sign3A_9 = arith.extui %sign3A_8 : i1 to i32
    %sign3A_10 = arith.constant 0 : i32
    %sign3A_11 = arith.cmpi slt, %jit3A, %sign3A_10 : i32
    %sign3A_12 = arith.extui %sign3A_11 : i1 to i32
    %sign3A_13 = arith.subi %sign3A_9, %sign3A_12 : i32
    %ne3A = arith.cmpi ne, %sign3A_6, %sign3A_13 : i32
    %rem3A = arith.remsi %sub3A_0, %jit3A : i32
    %ne3A_14 = arith.constant 0 : i32
    %ne3A_15 = arith.cmpi ne, %rem3A, %ne3A_14 : i32
    %and3A = arith.andi %ne3A, %ne3A_15 : i1
    %sub3A_16 = arith.constant 1 : i32
    %sub3A_17 = arith.subi %div3A, %sub3A_16 : i32
    %select_n3A = arith.select %and3A, %sub3A_17, %div3A : i32
    %add3A = arith.constant 1 : i32
    %add3A_18 = arith.addi %select_n3A, %add3A : i32
    %mul3A = arith.constant 5 : i32
    %mul3A_19 = arith.muli %add3A_18, %mul3A : i32
    %mul3A_20 = arith.constant 624 : i32
    %mul3A_21 = arith.muli %arg1, %mul3A_20 : i32
    "tpu.region"() ({
      %run_scoped3A = tpu.sem_alloc : memref<!tpu.dma_semaphore, #tpu.memory_space<semaphore_mem>>
      %dma_start3A = arith.constant 0 : i32
      %dma_start3A_39 = tpu.memref_slice %arg9[%mul3A_21, %dma_start3A] : memref<10000x128xf32, #tpu.memory_space<vmem_shared>> -> memref<624x128xf32, #tpu.memory_space<vmem_shared>>
      %dma_start3A_40 = arith.constant 0 : i32
      %dma_start3A_41 = arith.constant 0 : i32
      %dma_start3A_42 = tpu.memref_slice %arg5[%dma_start3A_40, %dma_start3A_41] : memref<624x128xf32, #tpu.memory_space<hbm>> -> memref<624x128xf32, #tpu.memory_space<hbm>>
      tpu.enqueue_dma source(%dma_start3A_42 : memref<624x128xf32, #tpu.memory_space<hbm>>) target(%dma_start3A_39 : memref<624x128xf32, #tpu.memory_space<vmem_shared>>) target_semaphore(%run_scoped3A : memref<!tpu.dma_semaphore, #tpu.memory_space<semaphore_mem>>)
      %dma_wait3A = arith.constant 0 : i32
      %dma_wait3A_43 = tpu.memref_slice %arg9[%mul3A_21, %dma_wait3A] : memref<10000x128xf32, #tpu.memory_space<vmem_shared>> -> memref<624x128xf32, #tpu.memory_space<vmem_shared>>
      %dma_wait3A_44 = arith.constant 0 : i32
      %dma_wait3A_45 = arith.constant 0 : i32
      %dma_wait3A_46 = tpu.memref_slice %arg5[%dma_wait3A_44, %dma_wait3A_45] : memref<624x128xf32, #tpu.memory_space<hbm>> -> memref<624x128xf32, #tpu.memory_space<hbm>>
      tpu.wait_dma2 semaphore(%run_scoped3A : memref<!tpu.dma_semaphore, #tpu.memory_space<semaphore_mem>>) src(%dma_wait3A_46 : memref<624x128xf32, #tpu.memory_space<hbm>>) dst(%dma_wait3A_43 : memref<624x128xf32, #tpu.memory_space<vmem_shared>>)
      tpu.yield
    }) : () -> ()
    %eq3A = arith.constant 15 : i32
    %eq3A_22 = arith.cmpi eq, %arg1, %eq3A : i32
    %convert_element_type3A = arith.extui %eq3A_22 : i1 to i32
    %cond3A = arith.constant 0 : i32
    %cond3A_23 = arith.cmpi ne, %convert_element_type3A, %cond3A : i32
    scf.if %cond3A_23 {
      "tpu.region"() ({
        %run_scoped3A = tpu.sem_alloc : memref<!tpu.dma_semaphore, #tpu.memory_space<semaphore_mem>>
        %dma_start3A = arith.constant 9984 : i32
        %dma_start3A_39 = arith.constant 0 : i32
        %dma_start3A_40 = tpu.memref_slice %arg9[%dma_start3A, %dma_start3A_39] : memref<10000x128xf32, #tpu.memory_space<vmem_shared>> -> memref<16x128xf32, #tpu.memory_space<vmem_shared>>
        %dma_start3A_41 = arith.constant 0 : i32
        %dma_start3A_42 = arith.constant 0 : i32
        %dma_start3A_43 = tpu.memref_slice %arg5[%dma_start3A_41, %dma_start3A_42] : memref<624x128xf32, #tpu.memory_space<hbm>> -> memref<16x128xf32, #tpu.memory_space<hbm>>
        tpu.enqueue_dma source(%dma_start3A_43 : memref<16x128xf32, #tpu.memory_space<hbm>>) target(%dma_start3A_40 : memref<16x128xf32, #tpu.memory_space<vmem_shared>>) target_semaphore(%run_scoped3A : memref<!tpu.dma_semaphore, #tpu.memory_space<semaphore_mem>>)
        %dma_wait3A = arith.constant 9984 : i32
        %dma_wait3A_44 = arith.constant 0 : i32
        %dma_wait3A_45 = tpu.memref_slice %arg9[%dma_wait3A, %dma_wait3A_44] : memref<10000x128xf32, #tpu.memory_space<vmem_shared>> -> memref<16x128xf32, #tpu.memory_space<vmem_shared>>
        %dma_wait3A_46 = arith.constant 0 : i32
        %dma_wait3A_47 = arith.constant 0 : i32
        %dma_wait3A_48 = tpu.memref_slice %arg5[%dma_wait3A_46, %dma_wait3A_47] : memref<624x128xf32, #tpu.memory_space<hbm>> -> memref<16x128xf32, #tpu.memory_space<hbm>>
        tpu.wait_dma2 semaphore(%run_scoped3A : memref<!tpu.dma_semaphore, #tpu.memory_space<semaphore_mem>>) src(%dma_wait3A_48 : memref<16x128xf32, #tpu.memory_space<hbm>>) dst(%dma_wait3A_45 : memref<16x128xf32, #tpu.memory_space<vmem_shared>>)
        tpu.yield
      }) : () -> ()
    } else {
    }
    %eq3A_24 = arith.constant 0 : i32
    %eq3A_25 = arith.cmpi eq, %arg0, %eq3A_24 : i32
    %convert_element_type3A_26 = arith.extui %eq3A_25 : i1 to i32
    %cond3A_27 = arith.constant 0 : i32
    %cond3A_28 = arith.cmpi ne, %convert_element_type3A_26, %cond3A_27 : i32
    scf.if %cond3A_28 {
      %run_scoped3A = arith.constant 0 : i32
      "tpu.region"() ({
        %run_scoped3A_152 = tpu.sem_alloc : memref<!tpu.dma_semaphore, #tpu.memory_space<semaphore_mem>>
        %dma_start3A_153 = arith.constant 0 : i32
        %dma_start3A_154 = arith.constant 0 : i32
        %dma_start3A_155 = arith.constant 0 : i32
        %dma_start3A_156 = tpu.memref_slice %arg7[%run_scoped3A, %dma_start3A_153, %dma_start3A_154, %dma_start3A_155] : memref<3x2x5x80xi32, #tpu.memory_space<vmem>> -> memref<1x2x5x80xi32, #tpu.memory_space<vmem>>
        %dma_start3A_157 = tpu.memref_squeeze %dma_start3A_156 : memref<1x2x5x80xi32, #tpu.memory_space<vmem>> -> memref<2x5x80xi32, #tpu.memory_space<vmem>>
        %dma_start3A_158 = arith.constant 0 : i32
        %dma_start3A_159 = arith.constant 0 : i32
        %dma_start3A_160 = arith.constant 0 : i32
        %dma_start3A_161 = tpu.memref_slice %arg3[%dma_start3A_158, %arg1, %dma_start3A_159, %dma_start3A_160] : memref<2x800x5x80xi32, #tpu.memory_space<hbm>> -> memref<2x1x5x80xi32, #tpu.memory_space<hbm>>
        %dma_start3A_162 = tpu.memref_squeeze %dma_start3A_161 : memref<2x1x5x80xi32, #tpu.memory_space<hbm>> -> memref<2x5x80xi32, #tpu.memory_space<hbm>>
        %dma_start3A_163 = arith.constant 0 : i32
        %dma_start3A_164 = arith.constant 0 : i32
        %dma_start3A_165 = arith.constant 0 : i32
        %dma_start3A_166 = tpu.memref_slice %arg7[%run_scoped3A, %dma_start3A_163, %dma_start3A_164, %dma_start3A_165] : memref<3x2x5x80xi32, #tpu.memory_space<vmem>> -> memref<1x2x5x80xi32, #tpu.memory_space<vmem>>
        %dma_start3A_167 = tpu.memref_squeeze %dma_start3A_166 : memref<1x2x5x80xi32, #tpu.memory_space<vmem>> -> memref<2x5x80xi32, #tpu.memory_space<vmem>>
        %dma_start3A_168 = arith.constant 0 : i32
        %dma_start3A_169 = arith.constant 0 : i32
        %dma_start3A_170 = arith.constant 0 : i32
        %dma_start3A_171 = tpu.memref_slice %arg3[%dma_start3A_168, %arg1, %dma_start3A_169, %dma_start3A_170] : memref<2x800x5x80xi32, #tpu.memory_space<hbm>> -> memref<2x1x5x80xi32, #tpu.memory_space<hbm>>
        %dma_start3A_172 = tpu.memref_squeeze %dma_start3A_171 : memref<2x1x5x80xi32, #tpu.memory_space<hbm>> -> memref<2x5x80xi32, #tpu.memory_space<hbm>>
        tpu.enqueue_dma source(%dma_start3A_172 : memref<2x5x80xi32, #tpu.memory_space<hbm>>) target(%dma_start3A_167 : memref<2x5x80xi32, #tpu.memory_space<vmem>>) target_semaphore(%run_scoped3A_152 : memref<!tpu.dma_semaphore, #tpu.memory_space<semaphore_mem>>)
        %dma_wait3A_173 = arith.constant 0 : i32
        %dma_wait3A_174 = arith.constant 0 : i32
        %dma_wait3A_175 = arith.constant 0 : i32
        %dma_wait3A_176 = tpu.memref_slice %arg7[%run_scoped3A, %dma_wait3A_173, %dma_wait3A_174, %dma_wait3A_175] : memref<3x2x5x80xi32, #tpu.memory_space<vmem>> -> memref<1x2x5x80xi32, #tpu.memory_space<vmem>>
        %dma_wait3A_177 = tpu.memref_squeeze %dma_wait3A_176 : memref<1x2x5x80xi32, #tpu.memory_space<vmem>> -> memref<2x5x80xi32, #tpu.memory_space<vmem>>
        %dma_wait3A_178 = arith.constant 0 : i32
        %dma_wait3A_179 = arith.constant 0 : i32
        %dma_wait3A_180 = arith.constant 0 : i32
        %dma_wait3A_181 = tpu.memref_slice %arg3[%dma_wait3A_178, %arg1, %dma_wait3A_179, %dma_wait3A_180] : memref<2x800x5x80xi32, #tpu.memory_space<hbm>> -> memref<2x1x5x80xi32, #tpu.memory_space<hbm>>
        %dma_wait3A_182 = tpu.memref_squeeze %dma_wait3A_181 : memref<2x1x5x80xi32, #tpu.memory_space<hbm>> -> memref<2x5x80xi32, #tpu.memory_space<hbm>>
        %dma_wait3A_183 = arith.constant 0 : i32
        %dma_wait3A_184 = arith.constant 0 : i32
        %dma_wait3A_185 = arith.constant 0 : i32
        %dma_wait3A_186 = tpu.memref_slice %arg7[%run_scoped3A, %dma_wait3A_183, %dma_wait3A_184, %dma_wait3A_185] : memref<3x2x5x80xi32, #tpu.memory_space<vmem>> -> memref<1x2x5x80xi32, #tpu.memory_space<vmem>>
        %dma_wait3A_187 = tpu.memref_squeeze %dma_wait3A_186 : memref<1x2x5x80xi32, #tpu.memory_space<vmem>> -> memref<2x5x80xi32, #tpu.memory_space<vmem>>
        %dma_wait3A_188 = arith.constant 0 : i32
        %dma_wait3A_189 = arith.constant 0 : i32
        %dma_wait3A_190 = arith.constant 0 : i32
        %dma_wait3A_191 = tpu.memref_slice %arg3[%dma_wait3A_188, %arg1, %dma_wait3A_189, %dma_wait3A_190] : memref<2x800x5x80xi32, #tpu.memory_space<hbm>> -> memref<2x1x5x80xi32, #tpu.memory_space<hbm>>
        %dma_wait3A_192 = tpu.memref_squeeze %dma_wait3A_191 : memref<2x1x5x80xi32, #tpu.memory_space<hbm>> -> memref<2x5x80xi32, #tpu.memory_space<hbm>>
        tpu.wait_dma2 semaphore(%run_scoped3A_152 : memref<!tpu.dma_semaphore, #tpu.memory_space<semaphore_mem>>) src(%dma_wait3A_192 : memref<2x5x80xi32, #tpu.memory_space<hbm>>) dst(%dma_wait3A_187 : memref<2x5x80xi32, #tpu.memory_space<vmem>>)
        tpu.yield
      }) : () -> ()
      %add3A_39 = arith.constant 16 : i32
      %add3A_40 = arith.addi %add3A_39, %arg1 : i32
      %run_scoped3A_41 = arith.constant 1 : i32
      "tpu.region"() ({
        %run_scoped3A_152 = tpu.sem_alloc : memref<!tpu.dma_semaphore, #tpu.memory_space<semaphore_mem>>
        %dma_start3A_153 = arith.constant 0 : i32
        %dma_start3A_154 = arith.constant 0 : i32
        %dma_start3A_155 = arith.constant 0 : i32
        %dma_start3A_156 = tpu.memref_slice %arg7[%run_scoped3A_41, %dma_start3A_153, %dma_start3A_154, %dma_start3A_155] : memref<3x2x5x80xi32, #tpu.memory_space<vmem>> -> memref<1x2x5x80xi32, #tpu.memory_space<vmem>>
        %dma_start3A_157 = tpu.memref_squeeze %dma_start3A_156 : memref<1x2x5x80xi32, #tpu.memory_space<vmem>> -> memref<2x5x80xi32, #tpu.memory_space<vmem>>
        %dma_start3A_158 = arith.constant 0 : i32
        %dma_start3A_159 = arith.constant 0 : i32
        %dma_start3A_160 = arith.constant 0 : i32
        %dma_start3A_161 = tpu.memref_slice %arg3[%dma_start3A_158, %add3A_40, %dma_start3A_159, %dma_start3A_160] : memref<2x800x5x80xi32, #tpu.memory_space<hbm>> -> memref<2x1x5x80xi32, #tpu.memory_space<hbm>>
        %dma_start3A_162 = tpu.memref_squeeze %dma_start3A_161 : memref<2x1x5x80xi32, #tpu.memory_space<hbm>> -> memref<2x5x80xi32, #tpu.memory_space<hbm>>
        %dma_start3A_163 = arith.constant 0 : i32
        %dma_start3A_164 = arith.constant 0 : i32
        %dma_start3A_165 = arith.constant 0 : i32
        %dma_start3A_166 = tpu.memref_slice %arg7[%run_scoped3A_41, %dma_start3A_163, %dma_start3A_164, %dma_start3A_165] : memref<3x2x5x80xi32, #tpu.memory_space<vmem>> -> memref<1x2x5x80xi32, #tpu.memory_space<vmem>>
        %dma_start3A_167 = tpu.memref_squeeze %dma_start3A_166 : memref<1x2x5x80xi32, #tpu.memory_space<vmem>> -> memref<2x5x80xi32, #tpu.memory_space<vmem>>
        %dma_start3A_168 = arith.constant 0 : i32
        %dma_start3A_169 = arith.constant 0 : i32
        %dma_start3A_170 = arith.constant 0 : i32
        %dma_start3A_171 = tpu.memref_slice %arg3[%dma_start3A_168, %add3A_40, %dma_start3A_169, %dma_start3A_170] : memref<2x800x5x80xi32, #tpu.memory_space<hbm>> -> memref<2x1x5x80xi32, #tpu.memory_space<hbm>>
        %dma_start3A_172 = tpu.memref_squeeze %dma_start3A_171 : memref<2x1x5x80xi32, #tpu.memory_space<hbm>> -> memref<2x5x80xi32, #tpu.memory_space<hbm>>
        tpu.enqueue_dma source(%dma_start3A_172 : memref<2x5x80xi32, #tpu.memory_space<hbm>>) target(%dma_start3A_167 : memref<2x5x80xi32, #tpu.memory_space<vmem>>) target_semaphore(%run_scoped3A_152 : memref<!tpu.dma_semaphore, #tpu.memory_space<semaphore_mem>>)
        %dma_wait3A_173 = arith.constant 0 : i32
        %dma_wait3A_174 = arith.constant 0 : i32
        %dma_wait3A_175 = arith.constant 0 : i32
        %dma_wait3A_176 = tpu.memref_slice %arg7[%run_scoped3A_41, %dma_wait3A_173, %dma_wait3A_174, %dma_wait3A_175] : memref<3x2x5x80xi32, #tpu.memory_space<vmem>> -> memref<1x2x5x80xi32, #tpu.memory_space<vmem>>
        %dma_wait3A_177 = tpu.memref_squeeze %dma_wait3A_176 : memref<1x2x5x80xi32, #tpu.memory_space<vmem>> -> memref<2x5x80xi32, #tpu.memory_space<vmem>>
        %dma_wait3A_178 = arith.constant 0 : i32
        %dma_wait3A_179 = arith.constant 0 : i32
        %dma_wait3A_180 = arith.constant 0 : i32
        %dma_wait3A_181 = tpu.memref_slice %arg3[%dma_wait3A_178, %add3A_40, %dma_wait3A_179, %dma_wait3A_180] : memref<2x800x5x80xi32, #tpu.memory_space<hbm>> -> memref<2x1x5x80xi32, #tpu.memory_space<hbm>>
        %dma_wait3A_182 = tpu.memref_squeeze %dma_wait3A_181 : memref<2x1x5x80xi32, #tpu.memory_space<hbm>> -> memref<2x5x80xi32, #tpu.memory_space<hbm>>
        %dma_wait3A_183 = arith.constant 0 : i32
        %dma_wait3A_184 = arith.constant 0 : i32
        %dma_wait3A_185 = arith.constant 0 : i32
        %dma_wait3A_186 = tpu.memref_slice %arg7[%run_scoped3A_41, %dma_wait3A_183, %dma_wait3A_184, %dma_wait3A_185] : memref<3x2x5x80xi32, #tpu.memory_space<vmem>> -> memref<1x2x5x80xi32, #tpu.memory_space<vmem>>
        %dma_wait3A_187 = tpu.memref_squeeze %dma_wait3A_186 : memref<1x2x5x80xi32, #tpu.memory_space<vmem>> -> memref<2x5x80xi32, #tpu.memory_space<vmem>>
        %dma_wait3A_188 = arith.constant 0 : i32
        %dma_wait3A_189 = arith.constant 0 : i32
        %dma_wait3A_190 = arith.constant 0 : i32
        %dma_wait3A_191 = tpu.memref_slice %arg3[%dma_wait3A_188, %add3A_40, %dma_wait3A_189, %dma_wait3A_190] : memref<2x800x5x80xi32, #tpu.memory_space<hbm>> -> memref<2x1x5x80xi32, #tpu.memory_space<hbm>>
        %dma_wait3A_192 = tpu.memref_squeeze %dma_wait3A_191 : memref<2x1x5x80xi32, #tpu.memory_space<hbm>> -> memref<2x5x80xi32, #tpu.memory_space<hbm>>
        tpu.wait_dma2 semaphore(%run_scoped3A_152 : memref<!tpu.dma_semaphore, #tpu.memory_space<semaphore_mem>>) src(%dma_wait3A_192 : memref<2x5x80xi32, #tpu.memory_space<hbm>>) dst(%dma_wait3A_187 : memref<2x5x80xi32, #tpu.memory_space<vmem>>)
        tpu.yield
      }) : () -> ()
      %barrier3A_42 = arith.constant 0 : index
      tpu.barrier barrier_id(%barrier3A_42)
      %dma_start3A = arith.constant 0 : i32
      %dma_start3A_43 = arith.constant 0 : i32
      %dma_start3A_44 = arith.constant 0 : i32
      %dma_start3A_45 = arith.constant 0 : i32
      %dma_start3A_46 = arith.constant 0 : i32
      %dma_start3A_47 = arith.constant 0 : i32
      %dma_start3A_48 = tpu.memref_slice %arg8[%dma_start3A_45, %dma_start3A_46, %dma_start3A_47] : memref<4x80x128xf32, #tpu.memory_space<vmem>> -> memref<1x80x128xf32, #tpu.memory_space<vmem>>
      %dma_start3A_49 = tpu.memref_squeeze %dma_start3A_48 : memref<1x80x128xf32, #tpu.memory_space<vmem>> -> memref<80x128xf32, #tpu.memory_space<vmem>>
      %dma_start3A_50 = arith.constant 0 : i32
      %dma_start3A_51 = tpu.memref_slice %arg7[%dma_start3A, %dma_start3A_43, %dma_start3A_44, %dma_start3A_50] : memref<3x2x5x80xi32, #tpu.memory_space<vmem>> -> memref<1x1x1x80xi32, #tpu.memory_space<vmem>>
      %dma_start3A_52 = tpu.memref_squeeze %dma_start3A_51 : memref<1x1x1x80xi32, #tpu.memory_space<vmem>> -> memref<80xi32, #tpu.memory_space<vmem>>
      %dma_start3A_53 = arith.constant 0 : i32
      %dma_start3A_54 = arith.constant 0 : i32
      %dma_start3A_55 = tpu.memref_slice %arg2[%dma_start3A_53, %dma_start3A_54] : memref<10000x128xf32, #tpu.memory_space<hbm>> -> memref<10000x128xf32, #tpu.memory_space<hbm>>
      tpu.enqueue_indirect_dma source(%dma_start3A_55 : memref<10000x128xf32, #tpu.memory_space<hbm>>) target(%dma_start3A_49 : memref<80x128xf32, #tpu.memory_space<vmem>>) offsets(%dma_start3A_52 : memref<80xi32, #tpu.memory_space<vmem>>) semaphore(%arg11 : memref<!tpu.dma_semaphore, #tpu.memory_space<semaphore_mem>>)
      %dma_start3A_56 = arith.constant 0 : i32
      %dma_start3A_57 = arith.constant 0 : i32
      %dma_start3A_58 = arith.constant 1 : i32
      %dma_start3A_59 = arith.constant 1 : i32
      %dma_start3A_60 = arith.constant 0 : i32
      %dma_start3A_61 = arith.constant 0 : i32
      %dma_start3A_62 = tpu.memref_slice %arg8[%dma_start3A_59, %dma_start3A_60, %dma_start3A_61] : memref<4x80x128xf32, #tpu.memory_space<vmem>> -> memref<1x80x128xf32, #tpu.memory_space<vmem>>
      %dma_start3A_63 = tpu.memref_squeeze %dma_start3A_62 : memref<1x80x128xf32, #tpu.memory_space<vmem>> -> memref<80x128xf32, #tpu.memory_space<vmem>>
      %dma_start3A_64 = arith.constant 0 : i32
      %dma_start3A_65 = tpu.memref_slice %arg7[%dma_start3A_56, %dma_start3A_57, %dma_start3A_58, %dma_start3A_64] : memref<3x2x5x80xi32, #tpu.memory_space<vmem>> -> memref<1x1x1x80xi32, #tpu.memory_space<vmem>>
      %dma_start3A_66 = tpu.memref_squeeze %dma_start3A_65 : memref<1x1x1x80xi32, #tpu.memory_space<vmem>> -> memref<80xi32, #tpu.memory_space<vmem>>
      %dma_start3A_67 = arith.constant 0 : i32
      %dma_start3A_68 = arith.constant 0 : i32
      %dma_start3A_69 = tpu.memref_slice %arg2[%dma_start3A_67, %dma_start3A_68] : memref<10000x128xf32, #tpu.memory_space<hbm>> -> memref<10000x128xf32, #tpu.memory_space<hbm>>
      tpu.enqueue_indirect_dma source(%dma_start3A_69 : memref<10000x128xf32, #tpu.memory_space<hbm>>) target(%dma_start3A_63 : memref<80x128xf32, #tpu.memory_space<vmem>>) offsets(%dma_start3A_66 : memref<80xi32, #tpu.memory_space<vmem>>) semaphore(%arg11 : memref<!tpu.dma_semaphore, #tpu.memory_space<semaphore_mem>>)
      %dma_start3A_70 = arith.constant 0 : i32
      %dma_start3A_71 = arith.constant 0 : i32
      %dma_start3A_72 = arith.constant 2 : i32
      %dma_start3A_73 = arith.constant 2 : i32
      %dma_start3A_74 = arith.constant 0 : i32
      %dma_start3A_75 = arith.constant 0 : i32
      %dma_start3A_76 = tpu.memref_slice %arg8[%dma_start3A_73, %dma_start3A_74, %dma_start3A_75] : memref<4x80x128xf32, #tpu.memory_space<vmem>> -> memref<1x80x128xf32, #tpu.memory_space<vmem>>
      %dma_start3A_77 = tpu.memref_squeeze %dma_start3A_76 : memref<1x80x128xf32, #tpu.memory_space<vmem>> -> memref<80x128xf32, #tpu.memory_space<vmem>>
      %dma_start3A_78 = arith.constant 0 : i32
      %dma_start3A_79 = tpu.memref_slice %arg7[%dma_start3A_70, %dma_start3A_71, %dma_start3A_72, %dma_start3A_78] : memref<3x2x5x80xi32, #tpu.memory_space<vmem>> -> memref<1x1x1x80xi32, #tpu.memory_space<vmem>>
      %dma_start3A_80 = tpu.memref_squeeze %dma_start3A_79 : memref<1x1x1x80xi32, #tpu.memory_space<vmem>> -> memref<80xi32, #tpu.memory_space<vmem>>
      %dma_start3A_81 = arith.constant 0 : i32
      %dma_start3A_82 = arith.constant 0 : i32
      %dma_start3A_83 = tpu.memref_slice %arg2[%dma_start3A_81, %dma_start3A_82] : memref<10000x128xf32, #tpu.memory_space<hbm>> -> memref<10000x128xf32, #tpu.memory_space<hbm>>
      tpu.enqueue_indirect_dma source(%dma_start3A_83 : memref<10000x128xf32, #tpu.memory_space<hbm>>) target(%dma_start3A_77 : memref<80x128xf32, #tpu.memory_space<vmem>>) offsets(%dma_start3A_80 : memref<80xi32, #tpu.memory_space<vmem>>) semaphore(%arg11 : memref<!tpu.dma_semaphore, #tpu.memory_space<semaphore_mem>>)
      %while3A = arith.constant 0 : i32
      %while3A_84 = arith.constant 0 : i32
      %while3A_85 = arith.subi %mul3A_19, %while3A_84 : i32
      %while3A_86 = arith.addi %while3A_84, %while3A_85 : i32
      %while3A_87 = arith.constant 1 : i32
      %while3A_88 = arith.divsi %while3A_85, %while3A_87 : i32
      %while3A_89 = arith.muli %while3A_88, %while3A_87 : i32
      %while3A_90 = arith.addi %while3A_84, %while3A_89 : i32
      %while3A_91 = arith.constant 1 : i32
      scf.for %while3A_152 = %while3A_84 to %while3A_90 step %while3A_91  : i32 {
        %div3A_153 = arith.constant 5 : i32
        %div3A_154 = arith.divsi %while3A_152, %div3A_153 : i32
        %rem3A_155 = arith.constant 5 : i32
        %rem3A_156 = arith.remsi %while3A_152, %rem3A_155 : i32
        %rem3A_157 = arith.constant 4 : i32
        %rem3A_158 = arith.remsi %while3A_152, %rem3A_157 : i32
        %rem3A_159 = arith.constant 3 : i32
        %rem3A_160 = arith.remsi %div3A_154, %rem3A_159 : i32
        %dma_wait3A_161 = arith.constant 0 : i32
        %dma_wait3A_162 = arith.constant 0 : i32
        %dma_wait3A_163 = tpu.memref_slice %arg8[%rem3A_158, %dma_wait3A_161, %dma_wait3A_162] : memref<4x80x128xf32, #tpu.memory_space<vmem>> -> memref<1x80x128xf32, #tpu.memory_space<vmem>>
        %dma_wait3A_164 = tpu.memref_squeeze %dma_wait3A_163 : memref<1x80x128xf32, #tpu.memory_space<vmem>> -> memref<80x128xf32, #tpu.memory_space<vmem>>
        %dma_wait3A_165 = arith.constant 0 : i32
        %dma_wait3A_166 = arith.constant 0 : i32
        %dma_wait3A_167 = tpu.memref_slice %arg2[%dma_wait3A_165, %dma_wait3A_166] : memref<10000x128xf32, #tpu.memory_space<hbm>> -> memref<80x128xf32, #tpu.memory_space<hbm>>
        %dma_wait3A_168 = arith.constant 0 : i32
        %dma_wait3A_169 = arith.constant 0 : i32
        %dma_wait3A_170 = tpu.memref_slice %arg8[%rem3A_158, %dma_wait3A_168, %dma_wait3A_169] : memref<4x80x128xf32, #tpu.memory_space<vmem>> -> memref<1x80x128xf32, #tpu.memory_space<vmem>>
        %dma_wait3A_171 = tpu.memref_squeeze %dma_wait3A_170 : memref<1x80x128xf32, #tpu.memory_space<vmem>> -> memref<80x128xf32, #tpu.memory_space<vmem>>
        %dma_wait3A_172 = arith.constant 0 : i32
        %dma_wait3A_173 = arith.constant 0 : i32
        %dma_wait3A_174 = tpu.memref_slice %arg2[%dma_wait3A_172, %dma_wait3A_173] : memref<10000x128xf32, #tpu.memory_space<hbm>> -> memref<80x128xf32, #tpu.memory_space<hbm>>
        tpu.wait_dma2 semaphore(%arg11 : memref<!tpu.dma_semaphore, #tpu.memory_space<semaphore_mem>>) src(%dma_wait3A_174 : memref<80x128xf32, #tpu.memory_space<hbm>>) dst(%dma_wait3A_171 : memref<80x128xf32, #tpu.memory_space<vmem>>)
        %dma_start3A_175 = arith.constant 1 : i32
        %dma_start3A_176 = arith.constant 0 : i32
        %dma_start3A_177 = arith.constant 0 : i32
        %dma_start3A_178 = tpu.memref_slice %arg8[%rem3A_158, %dma_start3A_176, %dma_start3A_177] : memref<4x80x128xf32, #tpu.memory_space<vmem>> -> memref<1x80x128xf32, #tpu.memory_space<vmem>>
        %dma_start3A_179 = tpu.memref_squeeze %dma_start3A_178 : memref<1x80x128xf32, #tpu.memory_space<vmem>> -> memref<80x128xf32, #tpu.memory_space<vmem>>
        %dma_start3A_180 = arith.constant 0 : i32
        %dma_start3A_181 = tpu.memref_slice %arg7[%rem3A_160, %dma_start3A_175, %rem3A_156, %dma_start3A_180] : memref<3x2x5x80xi32, #tpu.memory_space<vmem>> -> memref<1x1x1x80xi32, #tpu.memory_space<vmem>>
        %dma_start3A_182 = tpu.memref_squeeze %dma_start3A_181 : memref<1x1x1x80xi32, #tpu.memory_space<vmem>> -> memref<80xi32, #tpu.memory_space<vmem>>
        %dma_start3A_183 = arith.constant 0 : i32
        %dma_start3A_184 = arith.constant 0 : i32
        %dma_start3A_185 = tpu.memref_slice %arg9[%dma_start3A_183, %dma_start3A_184] : memref<10000x128xf32, #tpu.memory_space<vmem_shared>> -> memref<10000x128xf32, #tpu.memory_space<vmem_shared>>
        tpu.enqueue_indirect_dma source(%dma_start3A_179 : memref<80x128xf32, #tpu.memory_space<vmem>>) target(%dma_start3A_185 : memref<10000x128xf32, #tpu.memory_space<vmem_shared>>) offsets(%dma_start3A_182 : memref<80xi32, #tpu.memory_space<vmem>>) semaphore(%arg12 : memref<!tpu.dma_semaphore, #tpu.memory_space<semaphore_mem>>) {add = true}
        %add3A_186 = arith.constant 3 : i32
        %add3A_187 = arith.addi %while3A_152, %add3A_186 : i32
        %lt3A = arith.cmpi slt, %add3A_187, %mul3A_19 : i32
        %convert_element_type3A_188 = arith.extui %lt3A : i1 to i32
        %cond3A_189 = arith.constant 0 : i32
        %cond3A_190 = arith.cmpi ne, %convert_element_type3A_188, %cond3A_189 : i32
        scf.if %cond3A_190 {
          %ge3A = arith.constant 1 : i32
          %ge3A_191 = arith.cmpi sge, %while3A_152, %ge3A : i32
          %convert_element_type3A_192 = arith.extui %ge3A_191 : i1 to i32
          %cond3A_193 = arith.constant 0 : i32
          %cond3A_194 = arith.cmpi ne, %convert_element_type3A_192, %cond3A_193 : i32
          scf.if %cond3A_194 {
            %dma_wait3A_233 = arith.constant 0 : i32
            %dma_wait3A_234 = arith.constant 0 : i32
            %dma_wait3A_235 = arith.constant 0 : i32
            %dma_wait3A_236 = tpu.memref_slice %arg8[%dma_wait3A_233, %dma_wait3A_234, %dma_wait3A_235] : memref<4x80x128xf32, #tpu.memory_space<vmem>> -> memref<1x80x128xf32, #tpu.memory_space<vmem>>
            %dma_wait3A_237 = tpu.memref_squeeze %dma_wait3A_236 : memref<1x80x128xf32, #tpu.memory_space<vmem>> -> memref<80x128xf32, #tpu.memory_space<vmem>>
            %dma_wait3A_238 = arith.constant 0 : i32
            %dma_wait3A_239 = arith.constant 0 : i32
            %dma_wait3A_240 = tpu.memref_slice %arg2[%dma_wait3A_238, %dma_wait3A_239] : memref<10000x128xf32, #tpu.memory_space<hbm>> -> memref<80x128xf32, #tpu.memory_space<hbm>>
            %dma_wait3A_241 = arith.constant 0 : i32
            %dma_wait3A_242 = arith.constant 0 : i32
            %dma_wait3A_243 = tpu.memref_slice %arg8[%dma_wait3A_233, %dma_wait3A_241, %dma_wait3A_242] : memref<4x80x128xf32, #tpu.memory_space<vmem>> -> memref<1x80x128xf32, #tpu.memory_space<vmem>>
            %dma_wait3A_244 = tpu.memref_squeeze %dma_wait3A_243 : memref<1x80x128xf32, #tpu.memory_space<vmem>> -> memref<80x128xf32, #tpu.memory_space<vmem>>
            %dma_wait3A_245 = arith.constant 0 : i32
            %dma_wait3A_246 = arith.constant 0 : i32
            %dma_wait3A_247 = tpu.memref_slice %arg2[%dma_wait3A_245, %dma_wait3A_246] : memref<10000x128xf32, #tpu.memory_space<hbm>> -> memref<80x128xf32, #tpu.memory_space<hbm>>
            tpu.wait_dma2 semaphore(%arg12 : memref<!tpu.dma_semaphore, #tpu.memory_space<semaphore_mem>>) src(%dma_wait3A_247 : memref<80x128xf32, #tpu.memory_space<hbm>>) dst(%dma_wait3A_244 : memref<80x128xf32, #tpu.memory_space<vmem>>)
          } else {
          }
          %eq3A_195 = arith.constant 0 : i32
          %eq3A_196 = arith.cmpi eq, %rem3A_156, %eq3A_195 : i32
          %add3A_197 = arith.constant 2 : i32
          %add3A_198 = arith.addi %div3A_154, %add3A_197 : i32
          %lt3A_199 = arith.cmpi slt, %add3A_198, %add3A_18 : i32
          %and3A_200 = arith.andi %eq3A_196, %lt3A_199 : i1
          %convert_element_type3A_201 = arith.extui %and3A_200 : i1 to i32
          %cond3A_202 = arith.constant 0 : i32
          %cond3A_203 = arith.cmpi ne, %convert_element_type3A_201, %cond3A_202 : i32
          scf.if %cond3A_203 {
            %add3A_233 = arith.constant 2 : i32
            %add3A_234 = arith.addi %div3A_154, %add3A_233 : i32
            %mul3A_235 = arith.constant 16 : i32
            %mul3A_236 = arith.muli %add3A_234, %mul3A_235 : i32
            %add3A_237 = arith.addi %mul3A_236, %arg1 : i32
            %add3A_238 = arith.constant 2 : i32
            %add3A_239 = arith.addi %div3A_154, %add3A_238 : i32
            %rem3A_240 = arith.constant 3 : i32
            %rem3A_241 = arith.remsi %add3A_239, %rem3A_240 : i32
            %dma_start3A_242 = arith.constant 0 : i32
            %dma_start3A_243 = arith.constant 0 : i32
            %dma_start3A_244 = arith.constant 0 : i32
            %dma_start3A_245 = tpu.memref_slice %arg7[%rem3A_241, %dma_start3A_242, %dma_start3A_243, %dma_start3A_244] : memref<3x2x5x80xi32, #tpu.memory_space<vmem>> -> memref<1x2x5x80xi32, #tpu.memory_space<vmem>>
            %dma_start3A_246 = tpu.memref_squeeze %dma_start3A_245 : memref<1x2x5x80xi32, #tpu.memory_space<vmem>> -> memref<2x5x80xi32, #tpu.memory_space<vmem>>
            %dma_start3A_247 = arith.constant 0 : i32
            %dma_start3A_248 = arith.constant 0 : i32
            %dma_start3A_249 = arith.constant 0 : i32
            %dma_start3A_250 = tpu.memref_slice %arg3[%dma_start3A_247, %add3A_237, %dma_start3A_248, %dma_start3A_249] : memref<2x800x5x80xi32, #tpu.memory_space<hbm>> -> memref<2x1x5x80xi32, #tpu.memory_space<hbm>>
            %dma_start3A_251 = tpu.memref_squeeze %dma_start3A_250 : memref<2x1x5x80xi32, #tpu.memory_space<hbm>> -> memref<2x5x80xi32, #tpu.memory_space<hbm>>
            %dma_start3A_252 = arith.constant 0 : i32
            %dma_start3A_253 = arith.constant 0 : i32
            %dma_start3A_254 = arith.constant 0 : i32
            %dma_start3A_255 = tpu.memref_slice %arg7[%rem3A_241, %dma_start3A_252, %dma_start3A_253, %dma_start3A_254] : memref<3x2x5x80xi32, #tpu.memory_space<vmem>> -> memref<1x2x5x80xi32, #tpu.memory_space<vmem>>
            %dma_start3A_256 = tpu.memref_squeeze %dma_start3A_255 : memref<1x2x5x80xi32, #tpu.memory_space<vmem>> -> memref<2x5x80xi32, #tpu.memory_space<vmem>>
            %dma_start3A_257 = arith.constant 0 : i32
            %dma_start3A_258 = arith.constant 0 : i32
            %dma_start3A_259 = arith.constant 0 : i32
            %dma_start3A_260 = tpu.memref_slice %arg3[%dma_start3A_257, %add3A_237, %dma_start3A_258, %dma_start3A_259] : memref<2x800x5x80xi32, #tpu.memory_space<hbm>> -> memref<2x1x5x80xi32, #tpu.memory_space<hbm>>
            %dma_start3A_261 = tpu.memref_squeeze %dma_start3A_260 : memref<2x1x5x80xi32, #tpu.memory_space<hbm>> -> memref<2x5x80xi32, #tpu.memory_space<hbm>>
            tpu.enqueue_dma source(%dma_start3A_261 : memref<2x5x80xi32, #tpu.memory_space<hbm>>) target(%dma_start3A_256 : memref<2x5x80xi32, #tpu.memory_space<vmem>>) target_semaphore(%arg10 : memref<!tpu.dma_semaphore, #tpu.memory_space<semaphore_mem>>)
          } else {
          }
          %add3A_204 = arith.constant 3 : i32
          %add3A_205 = arith.addi %while3A_152, %add3A_204 : i32
          %div3A_206 = arith.constant 5 : i32
          %div3A_207 = arith.divsi %add3A_205, %div3A_206 : i32
          %rem3A_208 = arith.constant 5 : i32
          %rem3A_209 = arith.remsi %add3A_205, %rem3A_208 : i32
          %eq3A_210 = arith.constant 0 : i32
          %eq3A_211 = arith.cmpi eq, %rem3A_209, %eq3A_210 : i32
          %ge3A_212 = arith.constant 2 : i32
          %ge3A_213 = arith.cmpi sge, %div3A_207, %ge3A_212 : i32
          %and3A_214 = arith.andi %eq3A_211, %ge3A_213 : i1
          %convert_element_type3A_215 = arith.extui %and3A_214 : i1 to i32
          %cond3A_216 = arith.constant 0 : i32
          %cond3A_217 = arith.cmpi ne, %convert_element_type3A_215, %cond3A_216 : i32
          scf.if %cond3A_217 {
            %dma_wait3A_233 = arith.constant 0 : i32
            %dma_wait3A_234 = arith.constant 0 : i32
            %dma_wait3A_235 = arith.constant 0 : i32
            %dma_wait3A_236 = arith.constant 0 : i32
            %dma_wait3A_237 = tpu.memref_slice %arg7[%dma_wait3A_233, %dma_wait3A_234, %dma_wait3A_235, %dma_wait3A_236] : memref<3x2x5x80xi32, #tpu.memory_space<vmem>> -> memref<1x2x5x80xi32, #tpu.memory_space<vmem>>
            %dma_wait3A_238 = tpu.memref_squeeze %dma_wait3A_237 : memref<1x2x5x80xi32, #tpu.memory_space<vmem>> -> memref<2x5x80xi32, #tpu.memory_space<vmem>>
            %dma_wait3A_239 = arith.constant 0 : i32
            %dma_wait3A_240 = arith.constant 0 : i32
            %dma_wait3A_241 = arith.constant 0 : i32
            %dma_wait3A_242 = tpu.memref_slice %arg3[%dma_wait3A_239, %arg1, %dma_wait3A_240, %dma_wait3A_241] : memref<2x800x5x80xi32, #tpu.memory_space<hbm>> -> memref<2x1x5x80xi32, #tpu.memory_space<hbm>>
            %dma_wait3A_243 = tpu.memref_squeeze %dma_wait3A_242 : memref<2x1x5x80xi32, #tpu.memory_space<hbm>> -> memref<2x5x80xi32, #tpu.memory_space<hbm>>
            %dma_wait3A_244 = arith.constant 0 : i32
            %dma_wait3A_245 = arith.constant 0 : i32
            %dma_wait3A_246 = arith.constant 0 : i32
            %dma_wait3A_247 = tpu.memref_slice %arg7[%dma_wait3A_233, %dma_wait3A_244, %dma_wait3A_245, %dma_wait3A_246] : memref<3x2x5x80xi32, #tpu.memory_space<vmem>> -> memref<1x2x5x80xi32, #tpu.memory_space<vmem>>
            %dma_wait3A_248 = tpu.memref_squeeze %dma_wait3A_247 : memref<1x2x5x80xi32, #tpu.memory_space<vmem>> -> memref<2x5x80xi32, #tpu.memory_space<vmem>>
            %dma_wait3A_249 = arith.constant 0 : i32
            %dma_wait3A_250 = arith.constant 0 : i32
            %dma_wait3A_251 = arith.constant 0 : i32
            %dma_wait3A_252 = tpu.memref_slice %arg3[%dma_wait3A_249, %arg1, %dma_wait3A_250, %dma_wait3A_251] : memref<2x800x5x80xi32, #tpu.memory_space<hbm>> -> memref<2x1x5x80xi32, #tpu.memory_space<hbm>>
            %dma_wait3A_253 = tpu.memref_squeeze %dma_wait3A_252 : memref<2x1x5x80xi32, #tpu.memory_space<hbm>> -> memref<2x5x80xi32, #tpu.memory_space<hbm>>
            tpu.wait_dma2 semaphore(%arg10 : memref<!tpu.dma_semaphore, #tpu.memory_space<semaphore_mem>>) src(%dma_wait3A_253 : memref<2x5x80xi32, #tpu.memory_space<hbm>>) dst(%dma_wait3A_248 : memref<2x5x80xi32, #tpu.memory_space<vmem>>)
          } else {
          }
          %rem3A_218 = arith.constant 3 : i32
          %rem3A_219 = arith.remsi %div3A_207, %rem3A_218 : i32
          %rem3A_220 = arith.constant 4 : i32
          %rem3A_221 = arith.remsi %add3A_205, %rem3A_220 : i32
          %dma_start3A_222 = arith.constant 0 : i32
          %dma_start3A_223 = arith.constant 0 : i32
          %dma_start3A_224 = arith.constant 0 : i32
          %dma_start3A_225 = tpu.memref_slice %arg8[%rem3A_221, %dma_start3A_223, %dma_start3A_224] : memref<4x80x128xf32, #tpu.memory_space<vmem>> -> memref<1x80x128xf32, #tpu.memory_space<vmem>>
          %dma_start3A_226 = tpu.memref_squeeze %dma_start3A_225 : memref<1x80x128xf32, #tpu.memory_space<vmem>> -> memref<80x128xf32, #tpu.memory_space<vmem>>
          %dma_start3A_227 = arith.constant 0 : i32
          %dma_start3A_228 = tpu.memref_slice %arg7[%rem3A_219, %dma_start3A_222, %rem3A_209, %dma_start3A_227] : memref<3x2x5x80xi32, #tpu.memory_space<vmem>> -> memref<1x1x1x80xi32, #tpu.memory_space<vmem>>
          %dma_start3A_229 = tpu.memref_squeeze %dma_start3A_228 : memref<1x1x1x80xi32, #tpu.memory_space<vmem>> -> memref<80xi32, #tpu.memory_space<vmem>>
          %dma_start3A_230 = arith.constant 0 : i32
          %dma_start3A_231 = arith.constant 0 : i32
          %dma_start3A_232 = tpu.memref_slice %arg2[%dma_start3A_230, %dma_start3A_231] : memref<10000x128xf32, #tpu.memory_space<hbm>> -> memref<10000x128xf32, #tpu.memory_space<hbm>>
          tpu.enqueue_indirect_dma source(%dma_start3A_232 : memref<10000x128xf32, #tpu.memory_space<hbm>>) target(%dma_start3A_226 : memref<80x128xf32, #tpu.memory_space<vmem>>) offsets(%dma_start3A_229 : memref<80xi32, #tpu.memory_space<vmem>>) semaphore(%arg11 : memref<!tpu.dma_semaphore, #tpu.memory_space<semaphore_mem>>)
        } else {
        }
      }
      %while3A_92 = arith.constant 1 : i32
      scf.for %while3A_152 = %while3A_90 to %while3A_86 step %while3A_92  : i32 {
        %div3A_153 = arith.constant 5 : i32
        %div3A_154 = arith.divsi %while3A_152, %div3A_153 : i32
        %rem3A_155 = arith.constant 5 : i32
        %rem3A_156 = arith.remsi %while3A_152, %rem3A_155 : i32
        %rem3A_157 = arith.constant 4 : i32
        %rem3A_158 = arith.remsi %while3A_152, %rem3A_157 : i32
        %rem3A_159 = arith.constant 3 : i32
        %rem3A_160 = arith.remsi %div3A_154, %rem3A_159 : i32
        %dma_wait3A_161 = arith.constant 0 : i32
        %dma_wait3A_162 = arith.constant 0 : i32
        %dma_wait3A_163 = tpu.memref_slice %arg8[%rem3A_158, %dma_wait3A_161, %dma_wait3A_162] : memref<4x80x128xf32, #tpu.memory_space<vmem>> -> memref<1x80x128xf32, #tpu.memory_space<vmem>>
        %dma_wait3A_164 = tpu.memref_squeeze %dma_wait3A_163 : memref<1x80x128xf32, #tpu.memory_space<vmem>> -> memref<80x128xf32, #tpu.memory_space<vmem>>
        %dma_wait3A_165 = arith.constant 0 : i32
        %dma_wait3A_166 = arith.constant 0 : i32
        %dma_wait3A_167 = tpu.memref_slice %arg2[%dma_wait3A_165, %dma_wait3A_166] : memref<10000x128xf32, #tpu.memory_space<hbm>> -> memref<80x128xf32, #tpu.memory_space<hbm>>
        %dma_wait3A_168 = arith.constant 0 : i32
        %dma_wait3A_169 = arith.constant 0 : i32
        %dma_wait3A_170 = tpu.memref_slice %arg8[%rem3A_158, %dma_wait3A_168, %dma_wait3A_169] : memref<4x80x128xf32, #tpu.memory_space<vmem>> -> memref<1x80x128xf32, #tpu.memory_space<vmem>>
        %dma_wait3A_171 = tpu.memref_squeeze %dma_wait3A_170 : memref<1x80x128xf32, #tpu.memory_space<vmem>> -> memref<80x128xf32, #tpu.memory_space<vmem>>
        %dma_wait3A_172 = arith.constant 0 : i32
        %dma_wait3A_173 = arith.constant 0 : i32
        %dma_wait3A_174 = tpu.memref_slice %arg2[%dma_wait3A_172, %dma_wait3A_173] : memref<10000x128xf32, #tpu.memory_space<hbm>> -> memref<80x128xf32, #tpu.memory_space<hbm>>
        tpu.wait_dma2 semaphore(%arg11 : memref<!tpu.dma_semaphore, #tpu.memory_space<semaphore_mem>>) src(%dma_wait3A_174 : memref<80x128xf32, #tpu.memory_space<hbm>>) dst(%dma_wait3A_171 : memref<80x128xf32, #tpu.memory_space<vmem>>)
        %dma_start3A_175 = arith.constant 1 : i32
        %dma_start3A_176 = arith.constant 0 : i32
        %dma_start3A_177 = arith.constant 0 : i32
        %dma_start3A_178 = tpu.memref_slice %arg8[%rem3A_158, %dma_start3A_176, %dma_start3A_177] : memref<4x80x128xf32, #tpu.memory_space<vmem>> -> memref<1x80x128xf32, #tpu.memory_space<vmem>>
        %dma_start3A_179 = tpu.memref_squeeze %dma_start3A_178 : memref<1x80x128xf32, #tpu.memory_space<vmem>> -> memref<80x128xf32, #tpu.memory_space<vmem>>
        %dma_start3A_180 = arith.constant 0 : i32
        %dma_start3A_181 = tpu.memref_slice %arg7[%rem3A_160, %dma_start3A_175, %rem3A_156, %dma_start3A_180] : memref<3x2x5x80xi32, #tpu.memory_space<vmem>> -> memref<1x1x1x80xi32, #tpu.memory_space<vmem>>
        %dma_start3A_182 = tpu.memref_squeeze %dma_start3A_181 : memref<1x1x1x80xi32, #tpu.memory_space<vmem>> -> memref<80xi32, #tpu.memory_space<vmem>>
        %dma_start3A_183 = arith.constant 0 : i32
        %dma_start3A_184 = arith.constant 0 : i32
        %dma_start3A_185 = tpu.memref_slice %arg9[%dma_start3A_183, %dma_start3A_184] : memref<10000x128xf32, #tpu.memory_space<vmem_shared>> -> memref<10000x128xf32, #tpu.memory_space<vmem_shared>>
        tpu.enqueue_indirect_dma source(%dma_start3A_179 : memref<80x128xf32, #tpu.memory_space<vmem>>) target(%dma_start3A_185 : memref<10000x128xf32, #tpu.memory_space<vmem_shared>>) offsets(%dma_start3A_182 : memref<80xi32, #tpu.memory_space<vmem>>) semaphore(%arg12 : memref<!tpu.dma_semaphore, #tpu.memory_space<semaphore_mem>>) {add = true}
        %add3A_186 = arith.constant 3 : i32
        %add3A_187 = arith.addi %while3A_152, %add3A_186 : i32
        %lt3A = arith.cmpi slt, %add3A_187, %mul3A_19 : i32
        %convert_element_type3A_188 = arith.extui %lt3A : i1 to i32
        %cond3A_189 = arith.constant 0 : i32
        %cond3A_190 = arith.cmpi ne, %convert_element_type3A_188, %cond3A_189 : i32
        scf.if %cond3A_190 {
          %ge3A = arith.constant 1 : i32
          %ge3A_191 = arith.cmpi sge, %while3A_152, %ge3A : i32
          %convert_element_type3A_192 = arith.extui %ge3A_191 : i1 to i32
          %cond3A_193 = arith.constant 0 : i32
          %cond3A_194 = arith.cmpi ne, %convert_element_type3A_192, %cond3A_193 : i32
          scf.if %cond3A_194 {
            %dma_wait3A_233 = arith.constant 0 : i32
            %dma_wait3A_234 = arith.constant 0 : i32
            %dma_wait3A_235 = arith.constant 0 : i32
            %dma_wait3A_236 = tpu.memref_slice %arg8[%dma_wait3A_233, %dma_wait3A_234, %dma_wait3A_235] : memref<4x80x128xf32, #tpu.memory_space<vmem>> -> memref<1x80x128xf32, #tpu.memory_space<vmem>>
            %dma_wait3A_237 = tpu.memref_squeeze %dma_wait3A_236 : memref<1x80x128xf32, #tpu.memory_space<vmem>> -> memref<80x128xf32, #tpu.memory_space<vmem>>
            %dma_wait3A_238 = arith.constant 0 : i32
            %dma_wait3A_239 = arith.constant 0 : i32
            %dma_wait3A_240 = tpu.memref_slice %arg2[%dma_wait3A_238, %dma_wait3A_239] : memref<10000x128xf32, #tpu.memory_space<hbm>> -> memref<80x128xf32, #tpu.memory_space<hbm>>
            %dma_wait3A_241 = arith.constant 0 : i32
            %dma_wait3A_242 = arith.constant 0 : i32
            %dma_wait3A_243 = tpu.memref_slice %arg8[%dma_wait3A_233, %dma_wait3A_241, %dma_wait3A_242] : memref<4x80x128xf32, #tpu.memory_space<vmem>> -> memref<1x80x128xf32, #tpu.memory_space<vmem>>
            %dma_wait3A_244 = tpu.memref_squeeze %dma_wait3A_243 : memref<1x80x128xf32, #tpu.memory_space<vmem>> -> memref<80x128xf32, #tpu.memory_space<vmem>>
            %dma_wait3A_245 = arith.constant 0 : i32
            %dma_wait3A_246 = arith.constant 0 : i32
            %dma_wait3A_247 = tpu.memref_slice %arg2[%dma_wait3A_245, %dma_wait3A_246] : memref<10000x128xf32, #tpu.memory_space<hbm>> -> memref<80x128xf32, #tpu.memory_space<hbm>>
            tpu.wait_dma2 semaphore(%arg12 : memref<!tpu.dma_semaphore, #tpu.memory_space<semaphore_mem>>) src(%dma_wait3A_247 : memref<80x128xf32, #tpu.memory_space<hbm>>) dst(%dma_wait3A_244 : memref<80x128xf32, #tpu.memory_space<vmem>>)
          } else {
          }
          %eq3A_195 = arith.constant 0 : i32
          %eq3A_196 = arith.cmpi eq, %rem3A_156, %eq3A_195 : i32
          %add3A_197 = arith.constant 2 : i32
          %add3A_198 = arith.addi %div3A_154, %add3A_197 : i32
          %lt3A_199 = arith.cmpi slt, %add3A_198, %add3A_18 : i32
          %and3A_200 = arith.andi %eq3A_196, %lt3A_199 : i1
          %convert_element_type3A_201 = arith.extui %and3A_200 : i1 to i32
          %cond3A_202 = arith.constant 0 : i32
          %cond3A_203 = arith.cmpi ne, %convert_element_type3A_201, %cond3A_202 : i32
          scf.if %cond3A_203 {
            %add3A_233 = arith.constant 2 : i32
            %add3A_234 = arith.addi %div3A_154, %add3A_233 : i32
            %mul3A_235 = arith.constant 16 : i32
            %mul3A_236 = arith.muli %add3A_234, %mul3A_235 : i32
            %add3A_237 = arith.addi %mul3A_236, %arg1 : i32
            %add3A_238 = arith.constant 2 : i32
            %add3A_239 = arith.addi %div3A_154, %add3A_238 : i32
            %rem3A_240 = arith.constant 3 : i32
            %rem3A_241 = arith.remsi %add3A_239, %rem3A_240 : i32
            %dma_start3A_242 = arith.constant 0 : i32
            %dma_start3A_243 = arith.constant 0 : i32
            %dma_start3A_244 = arith.constant 0 : i32
            %dma_start3A_245 = tpu.memref_slice %arg7[%rem3A_241, %dma_start3A_242, %dma_start3A_243, %dma_start3A_244] : memref<3x2x5x80xi32, #tpu.memory_space<vmem>> -> memref<1x2x5x80xi32, #tpu.memory_space<vmem>>
            %dma_start3A_246 = tpu.memref_squeeze %dma_start3A_245 : memref<1x2x5x80xi32, #tpu.memory_space<vmem>> -> memref<2x5x80xi32, #tpu.memory_space<vmem>>
            %dma_start3A_247 = arith.constant 0 : i32
            %dma_start3A_248 = arith.constant 0 : i32
            %dma_start3A_249 = arith.constant 0 : i32
            %dma_start3A_250 = tpu.memref_slice %arg3[%dma_start3A_247, %add3A_237, %dma_start3A_248, %dma_start3A_249] : memref<2x800x5x80xi32, #tpu.memory_space<hbm>> -> memref<2x1x5x80xi32, #tpu.memory_space<hbm>>
            %dma_start3A_251 = tpu.memref_squeeze %dma_start3A_250 : memref<2x1x5x80xi32, #tpu.memory_space<hbm>> -> memref<2x5x80xi32, #tpu.memory_space<hbm>>
            %dma_start3A_252 = arith.constant 0 : i32
            %dma_start3A_253 = arith.constant 0 : i32
            %dma_start3A_254 = arith.constant 0 : i32
            %dma_start3A_255 = tpu.memref_slice %arg7[%rem3A_241, %dma_start3A_252, %dma_start3A_253, %dma_start3A_254] : memref<3x2x5x80xi32, #tpu.memory_space<vmem>> -> memref<1x2x5x80xi32, #tpu.memory_space<vmem>>
            %dma_start3A_256 = tpu.memref_squeeze %dma_start3A_255 : memref<1x2x5x80xi32, #tpu.memory_space<vmem>> -> memref<2x5x80xi32, #tpu.memory_space<vmem>>
            %dma_start3A_257 = arith.constant 0 : i32
            %dma_start3A_258 = arith.constant 0 : i32
            %dma_start3A_259 = arith.constant 0 : i32
            %dma_start3A_260 = tpu.memref_slice %arg3[%dma_start3A_257, %add3A_237, %dma_start3A_258, %dma_start3A_259] : memref<2x800x5x80xi32, #tpu.memory_space<hbm>> -> memref<2x1x5x80xi32, #tpu.memory_space<hbm>>
            %dma_start3A_261 = tpu.memref_squeeze %dma_start3A_260 : memref<2x1x5x80xi32, #tpu.memory_space<hbm>> -> memref<2x5x80xi32, #tpu.memory_space<hbm>>
            tpu.enqueue_dma source(%dma_start3A_261 : memref<2x5x80xi32, #tpu.memory_space<hbm>>) target(%dma_start3A_256 : memref<2x5x80xi32, #tpu.memory_space<vmem>>) target_semaphore(%arg10 : memref<!tpu.dma_semaphore, #tpu.memory_space<semaphore_mem>>)
          } else {
          }
          %add3A_204 = arith.constant 3 : i32
          %add3A_205 = arith.addi %while3A_152, %add3A_204 : i32
          %div3A_206 = arith.constant 5 : i32
          %div3A_207 = arith.divsi %add3A_205, %div3A_206 : i32
          %rem3A_208 = arith.constant 5 : i32
          %rem3A_209 = arith.remsi %add3A_205, %rem3A_208 : i32
          %eq3A_210 = arith.constant 0 : i32
          %eq3A_211 = arith.cmpi eq, %rem3A_209, %eq3A_210 : i32
          %ge3A_212 = arith.constant 2 : i32
          %ge3A_213 = arith.cmpi sge, %div3A_207, %ge3A_212 : i32
          %and3A_214 = arith.andi %eq3A_211, %ge3A_213 : i1
          %convert_element_type3A_215 = arith.extui %and3A_214 : i1 to i32
          %cond3A_216 = arith.constant 0 : i32
          %cond3A_217 = arith.cmpi ne, %convert_element_type3A_215, %cond3A_216 : i32
          scf.if %cond3A_217 {
            %dma_wait3A_233 = arith.constant 0 : i32
            %dma_wait3A_234 = arith.constant 0 : i32
            %dma_wait3A_235 = arith.constant 0 : i32
            %dma_wait3A_236 = arith.constant 0 : i32
            %dma_wait3A_237 = tpu.memref_slice %arg7[%dma_wait3A_233, %dma_wait3A_234, %dma_wait3A_235, %dma_wait3A_236] : memref<3x2x5x80xi32, #tpu.memory_space<vmem>> -> memref<1x2x5x80xi32, #tpu.memory_space<vmem>>
            %dma_wait3A_238 = tpu.memref_squeeze %dma_wait3A_237 : memref<1x2x5x80xi32, #tpu.memory_space<vmem>> -> memref<2x5x80xi32, #tpu.memory_space<vmem>>
            %dma_wait3A_239 = arith.constant 0 : i32
            %dma_wait3A_240 = arith.constant 0 : i32
            %dma_wait3A_241 = arith.constant 0 : i32
            %dma_wait3A_242 = tpu.memref_slice %arg3[%dma_wait3A_239, %arg1, %dma_wait3A_240, %dma_wait3A_241] : memref<2x800x5x80xi32, #tpu.memory_space<hbm>> -> memref<2x1x5x80xi32, #tpu.memory_space<hbm>>
            %dma_wait3A_243 = tpu.memref_squeeze %dma_wait3A_242 : memref<2x1x5x80xi32, #tpu.memory_space<hbm>> -> memref<2x5x80xi32, #tpu.memory_space<hbm>>
            %dma_wait3A_244 = arith.constant 0 : i32
            %dma_wait3A_245 = arith.constant 0 : i32
            %dma_wait3A_246 = arith.constant 0 : i32
            %dma_wait3A_247 = tpu.memref_slice %arg7[%dma_wait3A_233, %dma_wait3A_244, %dma_wait3A_245, %dma_wait3A_246] : memref<3x2x5x80xi32, #tpu.memory_space<vmem>> -> memref<1x2x5x80xi32, #tpu.memory_space<vmem>>
            %dma_wait3A_248 = tpu.memref_squeeze %dma_wait3A_247 : memref<1x2x5x80xi32, #tpu.memory_space<vmem>> -> memref<2x5x80xi32, #tpu.memory_space<vmem>>
            %dma_wait3A_249 = arith.constant 0 : i32
            %dma_wait3A_250 = arith.constant 0 : i32
            %dma_wait3A_251 = arith.constant 0 : i32
            %dma_wait3A_252 = tpu.memref_slice %arg3[%dma_wait3A_249, %arg1, %dma_wait3A_250, %dma_wait3A_251] : memref<2x800x5x80xi32, #tpu.memory_space<hbm>> -> memref<2x1x5x80xi32, #tpu.memory_space<hbm>>
            %dma_wait3A_253 = tpu.memref_squeeze %dma_wait3A_252 : memref<2x1x5x80xi32, #tpu.memory_space<hbm>> -> memref<2x5x80xi32, #tpu.memory_space<hbm>>
            tpu.wait_dma2 semaphore(%arg10 : memref<!tpu.dma_semaphore, #tpu.memory_space<semaphore_mem>>) src(%dma_wait3A_253 : memref<2x5x80xi32, #tpu.memory_space<hbm>>) dst(%dma_wait3A_248 : memref<2x5x80xi32, #tpu.memory_space<vmem>>)
          } else {
          }
          %rem3A_218 = arith.constant 3 : i32
          %rem3A_219 = arith.remsi %div3A_207, %rem3A_218 : i32
          %rem3A_220 = arith.constant 4 : i32
          %rem3A_221 = arith.remsi %add3A_205, %rem3A_220 : i32
          %dma_start3A_222 = arith.constant 0 : i32
          %dma_start3A_223 = arith.constant 0 : i32
          %dma_start3A_224 = arith.constant 0 : i32
          %dma_start3A_225 = tpu.memref_slice %arg8[%rem3A_221, %dma_start3A_223, %dma_start3A_224] : memref<4x80x128xf32, #tpu.memory_space<vmem>> -> memref<1x80x128xf32, #tpu.memory_space<vmem>>
          %dma_start3A_226 = tpu.memref_squeeze %dma_start3A_225 : memref<1x80x128xf32, #tpu.memory_space<vmem>> -> memref<80x128xf32, #tpu.memory_space<vmem>>
          %dma_start3A_227 = arith.constant 0 : i32
          %dma_start3A_228 = tpu.memref_slice %arg7[%rem3A_219, %dma_start3A_222, %rem3A_209, %dma_start3A_227] : memref<3x2x5x80xi32, #tpu.memory_space<vmem>> -> memref<1x1x1x80xi32, #tpu.memory_space<vmem>>
          %dma_start3A_229 = tpu.memref_squeeze %dma_start3A_228 : memref<1x1x1x80xi32, #tpu.memory_space<vmem>> -> memref<80xi32, #tpu.memory_space<vmem>>
          %dma_start3A_230 = arith.constant 0 : i32
          %dma_start3A_231 = arith.constant 0 : i32
          %dma_start3A_232 = tpu.memref_slice %arg2[%dma_start3A_230, %dma_start3A_231] : memref<10000x128xf32, #tpu.memory_space<hbm>> -> memref<10000x128xf32, #tpu.memory_space<hbm>>
          tpu.enqueue_indirect_dma source(%dma_start3A_232 : memref<10000x128xf32, #tpu.memory_space<hbm>>) target(%dma_start3A_226 : memref<80x128xf32, #tpu.memory_space<vmem>>) offsets(%dma_start3A_229 : memref<80xi32, #tpu.memory_space<vmem>>) semaphore(%arg11 : memref<!tpu.dma_semaphore, #tpu.memory_space<semaphore_mem>>)
        } else {
        }
      }
      %dma_wait3A = arith.constant 0 : i32
      %dma_wait3A_93 = arith.constant 0 : i32
      %dma_wait3A_94 = arith.constant 0 : i32
      %dma_wait3A_95 = tpu.memref_slice %arg8[%dma_wait3A, %dma_wait3A_93, %dma_wait3A_94] : memref<4x80x128xf32, #tpu.memory_space<vmem>> -> memref<1x80x128xf32, #tpu.memory_space<vmem>>
      %dma_wait3A_96 = tpu.memref_squeeze %dma_wait3A_95 : memref<1x80x128xf32, #tpu.memory_space<vmem>> -> memref<80x128xf32, #tpu.memory_space<vmem>>
      %dma_wait3A_97 = arith.constant 0 : i32
      %dma_wait3A_98 = arith.constant 0 : i32
      %dma_wait3A_99 = tpu.memref_slice %arg2[%dma_wait3A_97, %dma_wait3A_98] : memref<10000x128xf32, #tpu.memory_space<hbm>> -> memref<80x128xf32, #tpu.memory_space<hbm>>
      %dma_wait3A_100 = arith.constant 0 : i32
      %dma_wait3A_101 = arith.constant 0 : i32
      %dma_wait3A_102 = tpu.memref_slice %arg8[%dma_wait3A, %dma_wait3A_100, %dma_wait3A_101] : memref<4x80x128xf32, #tpu.memory_space<vmem>> -> memref<1x80x128xf32, #tpu.memory_space<vmem>>
      %dma_wait3A_103 = tpu.memref_squeeze %dma_wait3A_102 : memref<1x80x128xf32, #tpu.memory_space<vmem>> -> memref<80x128xf32, #tpu.memory_space<vmem>>
      %dma_wait3A_104 = arith.constant 0 : i32
      %dma_wait3A_105 = arith.constant 0 : i32
      %dma_wait3A_106 = tpu.memref_slice %arg2[%dma_wait3A_104, %dma_wait3A_105] : memref<10000x128xf32, #tpu.memory_space<hbm>> -> memref<80x128xf32, #tpu.memory_space<hbm>>
      tpu.wait_dma2 semaphore(%arg12 : memref<!tpu.dma_semaphore, #tpu.memory_space<semaphore_mem>>) src(%dma_wait3A_106 : memref<80x128xf32, #tpu.memory_space<hbm>>) dst(%dma_wait3A_103 : memref<80x128xf32, #tpu.memory_space<vmem>>)
      %dma_wait3A_107 = arith.constant 0 : i32
      %dma_wait3A_108 = arith.constant 0 : i32
      %dma_wait3A_109 = arith.constant 0 : i32
      %dma_wait3A_110 = tpu.memref_slice %arg8[%dma_wait3A_107, %dma_wait3A_108, %dma_wait3A_109] : memref<4x80x128xf32, #tpu.memory_space<vmem>> -> memref<1x80x128xf32, #tpu.memory_space<vmem>>
      %dma_wait3A_111 = tpu.memref_squeeze %dma_wait3A_110 : memref<1x80x128xf32, #tpu.memory_space<vmem>> -> memref<80x128xf32, #tpu.memory_space<vmem>>
      %dma_wait3A_112 = arith.constant 0 : i32
      %dma_wait3A_113 = arith.constant 0 : i32
      %dma_wait3A_114 = tpu.memref_slice %arg2[%dma_wait3A_112, %dma_wait3A_113] : memref<10000x128xf32, #tpu.memory_space<hbm>> -> memref<80x128xf32, #tpu.memory_space<hbm>>
      %dma_wait3A_115 = arith.constant 0 : i32
      %dma_wait3A_116 = arith.constant 0 : i32
      %dma_wait3A_117 = tpu.memref_slice %arg8[%dma_wait3A_107, %dma_wait3A_115, %dma_wait3A_116] : memref<4x80x128xf32, #tpu.memory_space<vmem>> -> memref<1x80x128xf32, #tpu.memory_space<vmem>>
      %dma_wait3A_118 = tpu.memref_squeeze %dma_wait3A_117 : memref<1x80x128xf32, #tpu.memory_space<vmem>> -> memref<80x128xf32, #tpu.memory_space<vmem>>
      %dma_wait3A_119 = arith.constant 0 : i32
      %dma_wait3A_120 = arith.constant 0 : i32
      %dma_wait3A_121 = tpu.memref_slice %arg2[%dma_wait3A_119, %dma_wait3A_120] : memref<10000x128xf32, #tpu.memory_space<hbm>> -> memref<80x128xf32, #tpu.memory_space<hbm>>
      tpu.wait_dma2 semaphore(%arg12 : memref<!tpu.dma_semaphore, #tpu.memory_space<semaphore_mem>>) src(%dma_wait3A_121 : memref<80x128xf32, #tpu.memory_space<hbm>>) dst(%dma_wait3A_118 : memref<80x128xf32, #tpu.memory_space<vmem>>)
      %dma_wait3A_122 = arith.constant 0 : i32
      %dma_wait3A_123 = arith.constant 0 : i32
      %dma_wait3A_124 = arith.constant 0 : i32
      %dma_wait3A_125 = tpu.memref_slice %arg8[%dma_wait3A_122, %dma_wait3A_123, %dma_wait3A_124] : memref<4x80x128xf32, #tpu.memory_space<vmem>> -> memref<1x80x128xf32, #tpu.memory_space<vmem>>
      %dma_wait3A_126 = tpu.memref_squeeze %dma_wait3A_125 : memref<1x80x128xf32, #tpu.memory_space<vmem>> -> memref<80x128xf32, #tpu.memory_space<vmem>>
      %dma_wait3A_127 = arith.constant 0 : i32
      %dma_wait3A_128 = arith.constant 0 : i32
      %dma_wait3A_129 = tpu.memref_slice %arg2[%dma_wait3A_127, %dma_wait3A_128] : memref<10000x128xf32, #tpu.memory_space<hbm>> -> memref<80x128xf32, #tpu.memory_space<hbm>>
      %dma_wait3A_130 = arith.constant 0 : i32
      %dma_wait3A_131 = arith.constant 0 : i32
      %dma_wait3A_132 = tpu.memref_slice %arg8[%dma_wait3A_122, %dma_wait3A_130, %dma_wait3A_131] : memref<4x80x128xf32, #tpu.memory_space<vmem>> -> memref<1x80x128xf32, #tpu.memory_space<vmem>>
      %dma_wait3A_133 = tpu.memref_squeeze %dma_wait3A_132 : memref<1x80x128xf32, #tpu.memory_space<vmem>> -> memref<80x128xf32, #tpu.memory_space<vmem>>
      %dma_wait3A_134 = arith.constant 0 : i32
      %dma_wait3A_135 = arith.constant 0 : i32
      %dma_wait3A_136 = tpu.memref_slice %arg2[%dma_wait3A_134, %dma_wait3A_135] : memref<10000x128xf32, #tpu.memory_space<hbm>> -> memref<80x128xf32, #tpu.memory_space<hbm>>
      tpu.wait_dma2 semaphore(%arg12 : memref<!tpu.dma_semaphore, #tpu.memory_space<semaphore_mem>>) src(%dma_wait3A_136 : memref<80x128xf32, #tpu.memory_space<hbm>>) dst(%dma_wait3A_133 : memref<80x128xf32, #tpu.memory_space<vmem>>)
      %dma_wait3A_137 = arith.constant 0 : i32
      %dma_wait3A_138 = arith.constant 0 : i32
      %dma_wait3A_139 = arith.constant 0 : i32
      %dma_wait3A_140 = tpu.memref_slice %arg8[%dma_wait3A_137, %dma_wait3A_138, %dma_wait3A_139] : memref<4x80x128xf32, #tpu.memory_space<vmem>> -> memref<1x80x128xf32, #tpu.memory_space<vmem>>
      %dma_wait3A_141 = tpu.memref_squeeze %dma_wait3A_140 : memref<1x80x128xf32, #tpu.memory_space<vmem>> -> memref<80x128xf32, #tpu.memory_space<vmem>>
      %dma_wait3A_142 = arith.constant 0 : i32
      %dma_wait3A_143 = arith.constant 0 : i32
      %dma_wait3A_144 = tpu.memref_slice %arg2[%dma_wait3A_142, %dma_wait3A_143] : memref<10000x128xf32, #tpu.memory_space<hbm>> -> memref<80x128xf32, #tpu.memory_space<hbm>>
      %dma_wait3A_145 = arith.constant 0 : i32
      %dma_wait3A_146 = arith.constant 0 : i32
      %dma_wait3A_147 = tpu.memref_slice %arg8[%dma_wait3A_137, %dma_wait3A_145, %dma_wait3A_146] : memref<4x80x128xf32, #tpu.memory_space<vmem>> -> memref<1x80x128xf32, #tpu.memory_space<vmem>>
      %dma_wait3A_148 = tpu.memref_squeeze %dma_wait3A_147 : memref<1x80x128xf32, #tpu.memory_space<vmem>> -> memref<80x128xf32, #tpu.memory_space<vmem>>
      %dma_wait3A_149 = arith.constant 0 : i32
      %dma_wait3A_150 = arith.constant 0 : i32
      %dma_wait3A_151 = tpu.memref_slice %arg2[%dma_wait3A_149, %dma_wait3A_150] : memref<10000x128xf32, #tpu.memory_space<hbm>> -> memref<80x128xf32, #tpu.memory_space<hbm>>
      tpu.wait_dma2 semaphore(%arg12 : memref<!tpu.dma_semaphore, #tpu.memory_space<semaphore_mem>>) src(%dma_wait3A_151 : memref<80x128xf32, #tpu.memory_space<hbm>>) dst(%dma_wait3A_148 : memref<80x128xf32, #tpu.memory_space<vmem>>)
    } else {
    }
    %eq3A_29 = arith.constant 1 : i32
    %eq3A_30 = arith.cmpi eq, %arg0, %eq3A_29 : i32
    %convert_element_type3A_31 = arith.extui %eq3A_30 : i1 to i32
    %cond3A_32 = arith.constant 0 : i32
    %cond3A_33 = arith.cmpi ne, %convert_element_type3A_31, %cond3A_32 : i32
    scf.if %cond3A_33 {
      %run_scoped3A = arith.constant 0 : i32
      "tpu.region"() ({
        %run_scoped3A_152 = tpu.sem_alloc : memref<!tpu.dma_semaphore, #tpu.memory_space<semaphore_mem>>
        %dma_start3A_153 = arith.constant 0 : i32
        %dma_start3A_154 = arith.constant 0 : i32
        %dma_start3A_155 = arith.constant 0 : i32
        %dma_start3A_156 = tpu.memref_slice %arg7[%run_scoped3A, %dma_start3A_153, %dma_start3A_154, %dma_start3A_155] : memref<3x2x5x80xi32, #tpu.memory_space<vmem>> -> memref<1x2x5x80xi32, #tpu.memory_space<vmem>>
        %dma_start3A_157 = tpu.memref_squeeze %dma_start3A_156 : memref<1x2x5x80xi32, #tpu.memory_space<vmem>> -> memref<2x5x80xi32, #tpu.memory_space<vmem>>
        %dma_start3A_158 = arith.constant 0 : i32
        %dma_start3A_159 = arith.constant 0 : i32
        %dma_start3A_160 = arith.constant 0 : i32
        %dma_start3A_161 = tpu.memref_slice %arg4[%dma_start3A_158, %arg1, %dma_start3A_159, %dma_start3A_160] : memref<2x800x5x80xi32, #tpu.memory_space<hbm>> -> memref<2x1x5x80xi32, #tpu.memory_space<hbm>>
        %dma_start3A_162 = tpu.memref_squeeze %dma_start3A_161 : memref<2x1x5x80xi32, #tpu.memory_space<hbm>> -> memref<2x5x80xi32, #tpu.memory_space<hbm>>
        %dma_start3A_163 = arith.constant 0 : i32
        %dma_start3A_164 = arith.constant 0 : i32
        %dma_start3A_165 = arith.constant 0 : i32
        %dma_start3A_166 = tpu.memref_slice %arg7[%run_scoped3A, %dma_start3A_163, %dma_start3A_164, %dma_start3A_165] : memref<3x2x5x80xi32, #tpu.memory_space<vmem>> -> memref<1x2x5x80xi32, #tpu.memory_space<vmem>>
        %dma_start3A_167 = tpu.memref_squeeze %dma_start3A_166 : memref<1x2x5x80xi32, #tpu.memory_space<vmem>> -> memref<2x5x80xi32, #tpu.memory_space<vmem>>
        %dma_start3A_168 = arith.constant 0 : i32
        %dma_start3A_169 = arith.constant 0 : i32
        %dma_start3A_170 = arith.constant 0 : i32
        %dma_start3A_171 = tpu.memref_slice %arg4[%dma_start3A_168, %arg1, %dma_start3A_169, %dma_start3A_170] : memref<2x800x5x80xi32, #tpu.memory_space<hbm>> -> memref<2x1x5x80xi32, #tpu.memory_space<hbm>>
        %dma_start3A_172 = tpu.memref_squeeze %dma_start3A_171 : memref<2x1x5x80xi32, #tpu.memory_space<hbm>> -> memref<2x5x80xi32, #tpu.memory_space<hbm>>
        tpu.enqueue_dma source(%dma_start3A_172 : memref<2x5x80xi32, #tpu.memory_space<hbm>>) target(%dma_start3A_167 : memref<2x5x80xi32, #tpu.memory_space<vmem>>) target_semaphore(%run_scoped3A_152 : memref<!tpu.dma_semaphore, #tpu.memory_space<semaphore_mem>>)
        %dma_wait3A_173 = arith.constant 0 : i32
        %dma_wait3A_174 = arith.constant 0 : i32
        %dma_wait3A_175 = arith.constant 0 : i32
        %dma_wait3A_176 = tpu.memref_slice %arg7[%run_scoped3A, %dma_wait3A_173, %dma_wait3A_174, %dma_wait3A_175] : memref<3x2x5x80xi32, #tpu.memory_space<vmem>> -> memref<1x2x5x80xi32, #tpu.memory_space<vmem>>
        %dma_wait3A_177 = tpu.memref_squeeze %dma_wait3A_176 : memref<1x2x5x80xi32, #tpu.memory_space<vmem>> -> memref<2x5x80xi32, #tpu.memory_space<vmem>>
        %dma_wait3A_178 = arith.constant 0 : i32
        %dma_wait3A_179 = arith.constant 0 : i32
        %dma_wait3A_180 = arith.constant 0 : i32
        %dma_wait3A_181 = tpu.memref_slice %arg4[%dma_wait3A_178, %arg1, %dma_wait3A_179, %dma_wait3A_180] : memref<2x800x5x80xi32, #tpu.memory_space<hbm>> -> memref<2x1x5x80xi32, #tpu.memory_space<hbm>>
        %dma_wait3A_182 = tpu.memref_squeeze %dma_wait3A_181 : memref<2x1x5x80xi32, #tpu.memory_space<hbm>> -> memref<2x5x80xi32, #tpu.memory_space<hbm>>
        %dma_wait3A_183 = arith.constant 0 : i32
        %dma_wait3A_184 = arith.constant 0 : i32
        %dma_wait3A_185 = arith.constant 0 : i32
        %dma_wait3A_186 = tpu.memref_slice %arg7[%run_scoped3A, %dma_wait3A_183, %dma_wait3A_184, %dma_wait3A_185] : memref<3x2x5x80xi32, #tpu.memory_space<vmem>> -> memref<1x2x5x80xi32, #tpu.memory_space<vmem>>
        %dma_wait3A_187 = tpu.memref_squeeze %dma_wait3A_186 : memref<1x2x5x80xi32, #tpu.memory_space<vmem>> -> memref<2x5x80xi32, #tpu.memory_space<vmem>>
        %dma_wait3A_188 = arith.constant 0 : i32
        %dma_wait3A_189 = arith.constant 0 : i32
        %dma_wait3A_190 = arith.constant 0 : i32
        %dma_wait3A_191 = tpu.memref_slice %arg4[%dma_wait3A_188, %arg1, %dma_wait3A_189, %dma_wait3A_190] : memref<2x800x5x80xi32, #tpu.memory_space<hbm>> -> memref<2x1x5x80xi32, #tpu.memory_space<hbm>>
        %dma_wait3A_192 = tpu.memref_squeeze %dma_wait3A_191 : memref<2x1x5x80xi32, #tpu.memory_space<hbm>> -> memref<2x5x80xi32, #tpu.memory_space<hbm>>
        tpu.wait_dma2 semaphore(%run_scoped3A_152 : memref<!tpu.dma_semaphore, #tpu.memory_space<semaphore_mem>>) src(%dma_wait3A_192 : memref<2x5x80xi32, #tpu.memory_space<hbm>>) dst(%dma_wait3A_187 : memref<2x5x80xi32, #tpu.memory_space<vmem>>)
        tpu.yield
      }) : () -> ()
      %add3A_39 = arith.constant 16 : i32
      %add3A_40 = arith.addi %add3A_39, %arg1 : i32
      %run_scoped3A_41 = arith.constant 1 : i32
      "tpu.region"() ({
        %run_scoped3A_152 = tpu.sem_alloc : memref<!tpu.dma_semaphore, #tpu.memory_space<semaphore_mem>>
        %dma_start3A_153 = arith.constant 0 : i32
        %dma_start3A_154 = arith.constant 0 : i32
        %dma_start3A_155 = arith.constant 0 : i32
        %dma_start3A_156 = tpu.memref_slice %arg7[%run_scoped3A_41, %dma_start3A_153, %dma_start3A_154, %dma_start3A_155] : memref<3x2x5x80xi32, #tpu.memory_space<vmem>> -> memref<1x2x5x80xi32, #tpu.memory_space<vmem>>
        %dma_start3A_157 = tpu.memref_squeeze %dma_start3A_156 : memref<1x2x5x80xi32, #tpu.memory_space<vmem>> -> memref<2x5x80xi32, #tpu.memory_space<vmem>>
        %dma_start3A_158 = arith.constant 0 : i32
        %dma_start3A_159 = arith.constant 0 : i32
        %dma_start3A_160 = arith.constant 0 : i32
        %dma_start3A_161 = tpu.memref_slice %arg4[%dma_start3A_158, %add3A_40, %dma_start3A_159, %dma_start3A_160] : memref<2x800x5x80xi32, #tpu.memory_space<hbm>> -> memref<2x1x5x80xi32, #tpu.memory_space<hbm>>
        %dma_start3A_162 = tpu.memref_squeeze %dma_start3A_161 : memref<2x1x5x80xi32, #tpu.memory_space<hbm>> -> memref<2x5x80xi32, #tpu.memory_space<hbm>>
        %dma_start3A_163 = arith.constant 0 : i32
        %dma_start3A_164 = arith.constant 0 : i32
        %dma_start3A_165 = arith.constant 0 : i32
        %dma_start3A_166 = tpu.memref_slice %arg7[%run_scoped3A_41, %dma_start3A_163, %dma_start3A_164, %dma_start3A_165] : memref<3x2x5x80xi32, #tpu.memory_space<vmem>> -> memref<1x2x5x80xi32, #tpu.memory_space<vmem>>
        %dma_start3A_167 = tpu.memref_squeeze %dma_start3A_166 : memref<1x2x5x80xi32, #tpu.memory_space<vmem>> -> memref<2x5x80xi32, #tpu.memory_space<vmem>>
        %dma_start3A_168 = arith.constant 0 : i32
        %dma_start3A_169 = arith.constant 0 : i32
        %dma_start3A_170 = arith.constant 0 : i32
        %dma_start3A_171 = tpu.memref_slice %arg4[%dma_start3A_168, %add3A_40, %dma_start3A_169, %dma_start3A_170] : memref<2x800x5x80xi32, #tpu.memory_space<hbm>> -> memref<2x1x5x80xi32, #tpu.memory_space<hbm>>
        %dma_start3A_172 = tpu.memref_squeeze %dma_start3A_171 : memref<2x1x5x80xi32, #tpu.memory_space<hbm>> -> memref<2x5x80xi32, #tpu.memory_space<hbm>>
        tpu.enqueue_dma source(%dma_start3A_172 : memref<2x5x80xi32, #tpu.memory_space<hbm>>) target(%dma_start3A_167 : memref<2x5x80xi32, #tpu.memory_space<vmem>>) target_semaphore(%run_scoped3A_152 : memref<!tpu.dma_semaphore, #tpu.memory_space<semaphore_mem>>)
        %dma_wait3A_173 = arith.constant 0 : i32
        %dma_wait3A_174 = arith.constant 0 : i32
        %dma_wait3A_175 = arith.constant 0 : i32
        %dma_wait3A_176 = tpu.memref_slice %arg7[%run_scoped3A_41, %dma_wait3A_173, %dma_wait3A_174, %dma_wait3A_175] : memref<3x2x5x80xi32, #tpu.memory_space<vmem>> -> memref<1x2x5x80xi32, #tpu.memory_space<vmem>>
        %dma_wait3A_177 = tpu.memref_squeeze %dma_wait3A_176 : memref<1x2x5x80xi32, #tpu.memory_space<vmem>> -> memref<2x5x80xi32, #tpu.memory_space<vmem>>
        %dma_wait3A_178 = arith.constant 0 : i32
        %dma_wait3A_179 = arith.constant 0 : i32
        %dma_wait3A_180 = arith.constant 0 : i32
        %dma_wait3A_181 = tpu.memref_slice %arg4[%dma_wait3A_178, %add3A_40, %dma_wait3A_179, %dma_wait3A_180] : memref<2x800x5x80xi32, #tpu.memory_space<hbm>> -> memref<2x1x5x80xi32, #tpu.memory_space<hbm>>
        %dma_wait3A_182 = tpu.memref_squeeze %dma_wait3A_181 : memref<2x1x5x80xi32, #tpu.memory_space<hbm>> -> memref<2x5x80xi32, #tpu.memory_space<hbm>>
        %dma_wait3A_183 = arith.constant 0 : i32
        %dma_wait3A_184 = arith.constant 0 : i32
        %dma_wait3A_185 = arith.constant 0 : i32
        %dma_wait3A_186 = tpu.memref_slice %arg7[%run_scoped3A_41, %dma_wait3A_183, %dma_wait3A_184, %dma_wait3A_185] : memref<3x2x5x80xi32, #tpu.memory_space<vmem>> -> memref<1x2x5x80xi32, #tpu.memory_space<vmem>>
        %dma_wait3A_187 = tpu.memref_squeeze %dma_wait3A_186 : memref<1x2x5x80xi32, #tpu.memory_space<vmem>> -> memref<2x5x80xi32, #tpu.memory_space<vmem>>
        %dma_wait3A_188 = arith.constant 0 : i32
        %dma_wait3A_189 = arith.constant 0 : i32
        %dma_wait3A_190 = arith.constant 0 : i32
        %dma_wait3A_191 = tpu.memref_slice %arg4[%dma_wait3A_188, %add3A_40, %dma_wait3A_189, %dma_wait3A_190] : memref<2x800x5x80xi32, #tpu.memory_space<hbm>> -> memref<2x1x5x80xi32, #tpu.memory_space<hbm>>
        %dma_wait3A_192 = tpu.memref_squeeze %dma_wait3A_191 : memref<2x1x5x80xi32, #tpu.memory_space<hbm>> -> memref<2x5x80xi32, #tpu.memory_space<hbm>>
        tpu.wait_dma2 semaphore(%run_scoped3A_152 : memref<!tpu.dma_semaphore, #tpu.memory_space<semaphore_mem>>) src(%dma_wait3A_192 : memref<2x5x80xi32, #tpu.memory_space<hbm>>) dst(%dma_wait3A_187 : memref<2x5x80xi32, #tpu.memory_space<vmem>>)
        tpu.yield
      }) : () -> ()
      %barrier3A_42 = arith.constant 0 : index
      tpu.barrier barrier_id(%barrier3A_42)
      %dma_start3A = arith.constant 0 : i32
      %dma_start3A_43 = arith.constant 0 : i32
      %dma_start3A_44 = arith.constant 0 : i32
      %dma_start3A_45 = arith.constant 0 : i32
      %dma_start3A_46 = arith.constant 0 : i32
      %dma_start3A_47 = arith.constant 0 : i32
      %dma_start3A_48 = tpu.memref_slice %arg8[%dma_start3A_45, %dma_start3A_46, %dma_start3A_47] : memref<4x80x128xf32, #tpu.memory_space<vmem>> -> memref<1x80x128xf32, #tpu.memory_space<vmem>>
      %dma_start3A_49 = tpu.memref_squeeze %dma_start3A_48 : memref<1x80x128xf32, #tpu.memory_space<vmem>> -> memref<80x128xf32, #tpu.memory_space<vmem>>
      %dma_start3A_50 = arith.constant 0 : i32
      %dma_start3A_51 = tpu.memref_slice %arg7[%dma_start3A, %dma_start3A_43, %dma_start3A_44, %dma_start3A_50] : memref<3x2x5x80xi32, #tpu.memory_space<vmem>> -> memref<1x1x1x80xi32, #tpu.memory_space<vmem>>
      %dma_start3A_52 = tpu.memref_squeeze %dma_start3A_51 : memref<1x1x1x80xi32, #tpu.memory_space<vmem>> -> memref<80xi32, #tpu.memory_space<vmem>>
      %dma_start3A_53 = arith.constant 0 : i32
      %dma_start3A_54 = arith.constant 0 : i32
      %dma_start3A_55 = tpu.memref_slice %arg2[%dma_start3A_53, %dma_start3A_54] : memref<10000x128xf32, #tpu.memory_space<hbm>> -> memref<10000x128xf32, #tpu.memory_space<hbm>>
      tpu.enqueue_indirect_dma source(%dma_start3A_55 : memref<10000x128xf32, #tpu.memory_space<hbm>>) target(%dma_start3A_49 : memref<80x128xf32, #tpu.memory_space<vmem>>) offsets(%dma_start3A_52 : memref<80xi32, #tpu.memory_space<vmem>>) semaphore(%arg11 : memref<!tpu.dma_semaphore, #tpu.memory_space<semaphore_mem>>)
      %dma_start3A_56 = arith.constant 0 : i32
      %dma_start3A_57 = arith.constant 0 : i32
      %dma_start3A_58 = arith.constant 1 : i32
      %dma_start3A_59 = arith.constant 1 : i32
      %dma_start3A_60 = arith.constant 0 : i32
      %dma_start3A_61 = arith.constant 0 : i32
      %dma_start3A_62 = tpu.memref_slice %arg8[%dma_start3A_59, %dma_start3A_60, %dma_start3A_61] : memref<4x80x128xf32, #tpu.memory_space<vmem>> -> memref<1x80x128xf32, #tpu.memory_space<vmem>>
      %dma_start3A_63 = tpu.memref_squeeze %dma_start3A_62 : memref<1x80x128xf32, #tpu.memory_space<vmem>> -> memref<80x128xf32, #tpu.memory_space<vmem>>
      %dma_start3A_64 = arith.constant 0 : i32
      %dma_start3A_65 = tpu.memref_slice %arg7[%dma_start3A_56, %dma_start3A_57, %dma_start3A_58, %dma_start3A_64] : memref<3x2x5x80xi32, #tpu.memory_space<vmem>> -> memref<1x1x1x80xi32, #tpu.memory_space<vmem>>
      %dma_start3A_66 = tpu.memref_squeeze %dma_start3A_65 : memref<1x1x1x80xi32, #tpu.memory_space<vmem>> -> memref<80xi32, #tpu.memory_space<vmem>>
      %dma_start3A_67 = arith.constant 0 : i32
      %dma_start3A_68 = arith.constant 0 : i32
      %dma_start3A_69 = tpu.memref_slice %arg2[%dma_start3A_67, %dma_start3A_68] : memref<10000x128xf32, #tpu.memory_space<hbm>> -> memref<10000x128xf32, #tpu.memory_space<hbm>>
      tpu.enqueue_indirect_dma source(%dma_start3A_69 : memref<10000x128xf32, #tpu.memory_space<hbm>>) target(%dma_start3A_63 : memref<80x128xf32, #tpu.memory_space<vmem>>) offsets(%dma_start3A_66 : memref<80xi32, #tpu.memory_space<vmem>>) semaphore(%arg11 : memref<!tpu.dma_semaphore, #tpu.memory_space<semaphore_mem>>)
      %dma_start3A_70 = arith.constant 0 : i32
      %dma_start3A_71 = arith.constant 0 : i32
      %dma_start3A_72 = arith.constant 2 : i32
      %dma_start3A_73 = arith.constant 2 : i32
      %dma_start3A_74 = arith.constant 0 : i32
      %dma_start3A_75 = arith.constant 0 : i32
      %dma_start3A_76 = tpu.memref_slice %arg8[%dma_start3A_73, %dma_start3A_74, %dma_start3A_75] : memref<4x80x128xf32, #tpu.memory_space<vmem>> -> memref<1x80x128xf32, #tpu.memory_space<vmem>>
      %dma_start3A_77 = tpu.memref_squeeze %dma_start3A_76 : memref<1x80x128xf32, #tpu.memory_space<vmem>> -> memref<80x128xf32, #tpu.memory_space<vmem>>
      %dma_start3A_78 = arith.constant 0 : i32
      %dma_start3A_79 = tpu.memref_slice %arg7[%dma_start3A_70, %dma_start3A_71, %dma_start3A_72, %dma_start3A_78] : memref<3x2x5x80xi32, #tpu.memory_space<vmem>> -> memref<1x1x1x80xi32, #tpu.memory_space<vmem>>
      %dma_start3A_80 = tpu.memref_squeeze %dma_start3A_79 : memref<1x1x1x80xi32, #tpu.memory_space<vmem>> -> memref<80xi32, #tpu.memory_space<vmem>>
      %dma_start3A_81 = arith.constant 0 : i32
      %dma_start3A_82 = arith.constant 0 : i32
      %dma_start3A_83 = tpu.memref_slice %arg2[%dma_start3A_81, %dma_start3A_82] : memref<10000x128xf32, #tpu.memory_space<hbm>> -> memref<10000x128xf32, #tpu.memory_space<hbm>>
      tpu.enqueue_indirect_dma source(%dma_start3A_83 : memref<10000x128xf32, #tpu.memory_space<hbm>>) target(%dma_start3A_77 : memref<80x128xf32, #tpu.memory_space<vmem>>) offsets(%dma_start3A_80 : memref<80xi32, #tpu.memory_space<vmem>>) semaphore(%arg11 : memref<!tpu.dma_semaphore, #tpu.memory_space<semaphore_mem>>)
      %while3A = arith.constant 0 : i32
      %while3A_84 = arith.constant 0 : i32
      %while3A_85 = arith.subi %mul3A_19, %while3A_84 : i32
      %while3A_86 = arith.addi %while3A_84, %while3A_85 : i32
      %while3A_87 = arith.constant 1 : i32
      %while3A_88 = arith.divsi %while3A_85, %while3A_87 : i32
      %while3A_89 = arith.muli %while3A_88, %while3A_87 : i32
      %while3A_90 = arith.addi %while3A_84, %while3A_89 : i32
      %while3A_91 = arith.constant 1 : i32
      scf.for %while3A_152 = %while3A_84 to %while3A_90 step %while3A_91  : i32 {
        %div3A_153 = arith.constant 5 : i32
        %div3A_154 = arith.divsi %while3A_152, %div3A_153 : i32
        %rem3A_155 = arith.constant 5 : i32
        %rem3A_156 = arith.remsi %while3A_152, %rem3A_155 : i32
        %rem3A_157 = arith.constant 4 : i32
        %rem3A_158 = arith.remsi %while3A_152, %rem3A_157 : i32
        %rem3A_159 = arith.constant 3 : i32
        %rem3A_160 = arith.remsi %div3A_154, %rem3A_159 : i32
        %dma_wait3A_161 = arith.constant 0 : i32
        %dma_wait3A_162 = arith.constant 0 : i32
        %dma_wait3A_163 = tpu.memref_slice %arg8[%rem3A_158, %dma_wait3A_161, %dma_wait3A_162] : memref<4x80x128xf32, #tpu.memory_space<vmem>> -> memref<1x80x128xf32, #tpu.memory_space<vmem>>
        %dma_wait3A_164 = tpu.memref_squeeze %dma_wait3A_163 : memref<1x80x128xf32, #tpu.memory_space<vmem>> -> memref<80x128xf32, #tpu.memory_space<vmem>>
        %dma_wait3A_165 = arith.constant 0 : i32
        %dma_wait3A_166 = arith.constant 0 : i32
        %dma_wait3A_167 = tpu.memref_slice %arg2[%dma_wait3A_165, %dma_wait3A_166] : memref<10000x128xf32, #tpu.memory_space<hbm>> -> memref<80x128xf32, #tpu.memory_space<hbm>>
        %dma_wait3A_168 = arith.constant 0 : i32
        %dma_wait3A_169 = arith.constant 0 : i32
        %dma_wait3A_170 = tpu.memref_slice %arg8[%rem3A_158, %dma_wait3A_168, %dma_wait3A_169] : memref<4x80x128xf32, #tpu.memory_space<vmem>> -> memref<1x80x128xf32, #tpu.memory_space<vmem>>
        %dma_wait3A_171 = tpu.memref_squeeze %dma_wait3A_170 : memref<1x80x128xf32, #tpu.memory_space<vmem>> -> memref<80x128xf32, #tpu.memory_space<vmem>>
        %dma_wait3A_172 = arith.constant 0 : i32
        %dma_wait3A_173 = arith.constant 0 : i32
        %dma_wait3A_174 = tpu.memref_slice %arg2[%dma_wait3A_172, %dma_wait3A_173] : memref<10000x128xf32, #tpu.memory_space<hbm>> -> memref<80x128xf32, #tpu.memory_space<hbm>>
        tpu.wait_dma2 semaphore(%arg11 : memref<!tpu.dma_semaphore, #tpu.memory_space<semaphore_mem>>) src(%dma_wait3A_174 : memref<80x128xf32, #tpu.memory_space<hbm>>) dst(%dma_wait3A_171 : memref<80x128xf32, #tpu.memory_space<vmem>>)
        %dma_start3A_175 = arith.constant 1 : i32
        %dma_start3A_176 = arith.constant 0 : i32
        %dma_start3A_177 = arith.constant 0 : i32
        %dma_start3A_178 = tpu.memref_slice %arg8[%rem3A_158, %dma_start3A_176, %dma_start3A_177] : memref<4x80x128xf32, #tpu.memory_space<vmem>> -> memref<1x80x128xf32, #tpu.memory_space<vmem>>
        %dma_start3A_179 = tpu.memref_squeeze %dma_start3A_178 : memref<1x80x128xf32, #tpu.memory_space<vmem>> -> memref<80x128xf32, #tpu.memory_space<vmem>>
        %dma_start3A_180 = arith.constant 0 : i32
        %dma_start3A_181 = tpu.memref_slice %arg7[%rem3A_160, %dma_start3A_175, %rem3A_156, %dma_start3A_180] : memref<3x2x5x80xi32, #tpu.memory_space<vmem>> -> memref<1x1x1x80xi32, #tpu.memory_space<vmem>>
        %dma_start3A_182 = tpu.memref_squeeze %dma_start3A_181 : memref<1x1x1x80xi32, #tpu.memory_space<vmem>> -> memref<80xi32, #tpu.memory_space<vmem>>
        %dma_start3A_183 = arith.constant 0 : i32
        %dma_start3A_184 = arith.constant 0 : i32
        %dma_start3A_185 = tpu.memref_slice %arg9[%dma_start3A_183, %dma_start3A_184] : memref<10000x128xf32, #tpu.memory_space<vmem_shared>> -> memref<10000x128xf32, #tpu.memory_space<vmem_shared>>
        tpu.enqueue_indirect_dma source(%dma_start3A_179 : memref<80x128xf32, #tpu.memory_space<vmem>>) target(%dma_start3A_185 : memref<10000x128xf32, #tpu.memory_space<vmem_shared>>) offsets(%dma_start3A_182 : memref<80xi32, #tpu.memory_space<vmem>>) semaphore(%arg12 : memref<!tpu.dma_semaphore, #tpu.memory_space<semaphore_mem>>) {add = true}
        %add3A_186 = arith.constant 3 : i32
        %add3A_187 = arith.addi %while3A_152, %add3A_186 : i32
        %lt3A = arith.cmpi slt, %add3A_187, %mul3A_19 : i32
        %convert_element_type3A_188 = arith.extui %lt3A : i1 to i32
        %cond3A_189 = arith.constant 0 : i32
        %cond3A_190 = arith.cmpi ne, %convert_element_type3A_188, %cond3A_189 : i32
        scf.if %cond3A_190 {
          %ge3A = arith.constant 1 : i32
          %ge3A_191 = arith.cmpi sge, %while3A_152, %ge3A : i32
          %convert_element_type3A_192 = arith.extui %ge3A_191 : i1 to i32
          %cond3A_193 = arith.constant 0 : i32
          %cond3A_194 = arith.cmpi ne, %convert_element_type3A_192, %cond3A_193 : i32
          scf.if %cond3A_194 {
            %dma_wait3A_233 = arith.constant 0 : i32
            %dma_wait3A_234 = arith.constant 0 : i32
            %dma_wait3A_235 = arith.constant 0 : i32
            %dma_wait3A_236 = tpu.memref_slice %arg8[%dma_wait3A_233, %dma_wait3A_234, %dma_wait3A_235] : memref<4x80x128xf32, #tpu.memory_space<vmem>> -> memref<1x80x128xf32, #tpu.memory_space<vmem>>
            %dma_wait3A_237 = tpu.memref_squeeze %dma_wait3A_236 : memref<1x80x128xf32, #tpu.memory_space<vmem>> -> memref<80x128xf32, #tpu.memory_space<vmem>>
            %dma_wait3A_238 = arith.constant 0 : i32
            %dma_wait3A_239 = arith.constant 0 : i32
            %dma_wait3A_240 = tpu.memref_slice %arg2[%dma_wait3A_238, %dma_wait3A_239] : memref<10000x128xf32, #tpu.memory_space<hbm>> -> memref<80x128xf32, #tpu.memory_space<hbm>>
            %dma_wait3A_241 = arith.constant 0 : i32
            %dma_wait3A_242 = arith.constant 0 : i32
            %dma_wait3A_243 = tpu.memref_slice %arg8[%dma_wait3A_233, %dma_wait3A_241, %dma_wait3A_242] : memref<4x80x128xf32, #tpu.memory_space<vmem>> -> memref<1x80x128xf32, #tpu.memory_space<vmem>>
            %dma_wait3A_244 = tpu.memref_squeeze %dma_wait3A_243 : memref<1x80x128xf32, #tpu.memory_space<vmem>> -> memref<80x128xf32, #tpu.memory_space<vmem>>
            %dma_wait3A_245 = arith.constant 0 : i32
            %dma_wait3A_246 = arith.constant 0 : i32
            %dma_wait3A_247 = tpu.memref_slice %arg2[%dma_wait3A_245, %dma_wait3A_246] : memref<10000x128xf32, #tpu.memory_space<hbm>> -> memref<80x128xf32, #tpu.memory_space<hbm>>
            tpu.wait_dma2 semaphore(%arg12 : memref<!tpu.dma_semaphore, #tpu.memory_space<semaphore_mem>>) src(%dma_wait3A_247 : memref<80x128xf32, #tpu.memory_space<hbm>>) dst(%dma_wait3A_244 : memref<80x128xf32, #tpu.memory_space<vmem>>)
          } else {
          }
          %eq3A_195 = arith.constant 0 : i32
          %eq3A_196 = arith.cmpi eq, %rem3A_156, %eq3A_195 : i32
          %add3A_197 = arith.constant 2 : i32
          %add3A_198 = arith.addi %div3A_154, %add3A_197 : i32
          %lt3A_199 = arith.cmpi slt, %add3A_198, %add3A_18 : i32
          %and3A_200 = arith.andi %eq3A_196, %lt3A_199 : i1
          %convert_element_type3A_201 = arith.extui %and3A_200 : i1 to i32
          %cond3A_202 = arith.constant 0 : i32
          %cond3A_203 = arith.cmpi ne, %convert_element_type3A_201, %cond3A_202 : i32
          scf.if %cond3A_203 {
            %add3A_233 = arith.constant 2 : i32
            %add3A_234 = arith.addi %div3A_154, %add3A_233 : i32
            %mul3A_235 = arith.constant 16 : i32
            %mul3A_236 = arith.muli %add3A_234, %mul3A_235 : i32
            %add3A_237 = arith.addi %mul3A_236, %arg1 : i32
            %add3A_238 = arith.constant 2 : i32
            %add3A_239 = arith.addi %div3A_154, %add3A_238 : i32
            %rem3A_240 = arith.constant 3 : i32
            %rem3A_241 = arith.remsi %add3A_239, %rem3A_240 : i32
            %dma_start3A_242 = arith.constant 0 : i32
            %dma_start3A_243 = arith.constant 0 : i32
            %dma_start3A_244 = arith.constant 0 : i32
            %dma_start3A_245 = tpu.memref_slice %arg7[%rem3A_241, %dma_start3A_242, %dma_start3A_243, %dma_start3A_244] : memref<3x2x5x80xi32, #tpu.memory_space<vmem>> -> memref<1x2x5x80xi32, #tpu.memory_space<vmem>>
            %dma_start3A_246 = tpu.memref_squeeze %dma_start3A_245 : memref<1x2x5x80xi32, #tpu.memory_space<vmem>> -> memref<2x5x80xi32, #tpu.memory_space<vmem>>
            %dma_start3A_247 = arith.constant 0 : i32
            %dma_start3A_248 = arith.constant 0 : i32
            %dma_start3A_249 = arith.constant 0 : i32
            %dma_start3A_250 = tpu.memref_slice %arg4[%dma_start3A_247, %add3A_237, %dma_start3A_248, %dma_start3A_249] : memref<2x800x5x80xi32, #tpu.memory_space<hbm>> -> memref<2x1x5x80xi32, #tpu.memory_space<hbm>>
            %dma_start3A_251 = tpu.memref_squeeze %dma_start3A_250 : memref<2x1x5x80xi32, #tpu.memory_space<hbm>> -> memref<2x5x80xi32, #tpu.memory_space<hbm>>
            %dma_start3A_252 = arith.constant 0 : i32
            %dma_start3A_253 = arith.constant 0 : i32
            %dma_start3A_254 = arith.constant 0 : i32
            %dma_start3A_255 = tpu.memref_slice %arg7[%rem3A_241, %dma_start3A_252, %dma_start3A_253, %dma_start3A_254] : memref<3x2x5x80xi32, #tpu.memory_space<vmem>> -> memref<1x2x5x80xi32, #tpu.memory_space<vmem>>
            %dma_start3A_256 = tpu.memref_squeeze %dma_start3A_255 : memref<1x2x5x80xi32, #tpu.memory_space<vmem>> -> memref<2x5x80xi32, #tpu.memory_space<vmem>>
            %dma_start3A_257 = arith.constant 0 : i32
            %dma_start3A_258 = arith.constant 0 : i32
            %dma_start3A_259 = arith.constant 0 : i32
            %dma_start3A_260 = tpu.memref_slice %arg4[%dma_start3A_257, %add3A_237, %dma_start3A_258, %dma_start3A_259] : memref<2x800x5x80xi32, #tpu.memory_space<hbm>> -> memref<2x1x5x80xi32, #tpu.memory_space<hbm>>
            %dma_start3A_261 = tpu.memref_squeeze %dma_start3A_260 : memref<2x1x5x80xi32, #tpu.memory_space<hbm>> -> memref<2x5x80xi32, #tpu.memory_space<hbm>>
            tpu.enqueue_dma source(%dma_start3A_261 : memref<2x5x80xi32, #tpu.memory_space<hbm>>) target(%dma_start3A_256 : memref<2x5x80xi32, #tpu.memory_space<vmem>>) target_semaphore(%arg10 : memref<!tpu.dma_semaphore, #tpu.memory_space<semaphore_mem>>)
          } else {
          }
          %add3A_204 = arith.constant 3 : i32
          %add3A_205 = arith.addi %while3A_152, %add3A_204 : i32
          %div3A_206 = arith.constant 5 : i32
          %div3A_207 = arith.divsi %add3A_205, %div3A_206 : i32
          %rem3A_208 = arith.constant 5 : i32
          %rem3A_209 = arith.remsi %add3A_205, %rem3A_208 : i32
          %eq3A_210 = arith.constant 0 : i32
          %eq3A_211 = arith.cmpi eq, %rem3A_209, %eq3A_210 : i32
          %ge3A_212 = arith.constant 2 : i32
          %ge3A_213 = arith.cmpi sge, %div3A_207, %ge3A_212 : i32
          %and3A_214 = arith.andi %eq3A_211, %ge3A_213 : i1
          %convert_element_type3A_215 = arith.extui %and3A_214 : i1 to i32
          %cond3A_216 = arith.constant 0 : i32
          %cond3A_217 = arith.cmpi ne, %convert_element_type3A_215, %cond3A_216 : i32
          scf.if %cond3A_217 {
            %dma_wait3A_233 = arith.constant 0 : i32
            %dma_wait3A_234 = arith.constant 0 : i32
            %dma_wait3A_235 = arith.constant 0 : i32
            %dma_wait3A_236 = arith.constant 0 : i32
            %dma_wait3A_237 = tpu.memref_slice %arg7[%dma_wait3A_233, %dma_wait3A_234, %dma_wait3A_235, %dma_wait3A_236] : memref<3x2x5x80xi32, #tpu.memory_space<vmem>> -> memref<1x2x5x80xi32, #tpu.memory_space<vmem>>
            %dma_wait3A_238 = tpu.memref_squeeze %dma_wait3A_237 : memref<1x2x5x80xi32, #tpu.memory_space<vmem>> -> memref<2x5x80xi32, #tpu.memory_space<vmem>>
            %dma_wait3A_239 = arith.constant 0 : i32
            %dma_wait3A_240 = arith.constant 0 : i32
            %dma_wait3A_241 = arith.constant 0 : i32
            %dma_wait3A_242 = tpu.memref_slice %arg4[%dma_wait3A_239, %arg1, %dma_wait3A_240, %dma_wait3A_241] : memref<2x800x5x80xi32, #tpu.memory_space<hbm>> -> memref<2x1x5x80xi32, #tpu.memory_space<hbm>>
            %dma_wait3A_243 = tpu.memref_squeeze %dma_wait3A_242 : memref<2x1x5x80xi32, #tpu.memory_space<hbm>> -> memref<2x5x80xi32, #tpu.memory_space<hbm>>
            %dma_wait3A_244 = arith.constant 0 : i32
            %dma_wait3A_245 = arith.constant 0 : i32
            %dma_wait3A_246 = arith.constant 0 : i32
            %dma_wait3A_247 = tpu.memref_slice %arg7[%dma_wait3A_233, %dma_wait3A_244, %dma_wait3A_245, %dma_wait3A_246] : memref<3x2x5x80xi32, #tpu.memory_space<vmem>> -> memref<1x2x5x80xi32, #tpu.memory_space<vmem>>
            %dma_wait3A_248 = tpu.memref_squeeze %dma_wait3A_247 : memref<1x2x5x80xi32, #tpu.memory_space<vmem>> -> memref<2x5x80xi32, #tpu.memory_space<vmem>>
            %dma_wait3A_249 = arith.constant 0 : i32
            %dma_wait3A_250 = arith.constant 0 : i32
            %dma_wait3A_251 = arith.constant 0 : i32
            %dma_wait3A_252 = tpu.memref_slice %arg4[%dma_wait3A_249, %arg1, %dma_wait3A_250, %dma_wait3A_251] : memref<2x800x5x80xi32, #tpu.memory_space<hbm>> -> memref<2x1x5x80xi32, #tpu.memory_space<hbm>>
            %dma_wait3A_253 = tpu.memref_squeeze %dma_wait3A_252 : memref<2x1x5x80xi32, #tpu.memory_space<hbm>> -> memref<2x5x80xi32, #tpu.memory_space<hbm>>
            tpu.wait_dma2 semaphore(%arg10 : memref<!tpu.dma_semaphore, #tpu.memory_space<semaphore_mem>>) src(%dma_wait3A_253 : memref<2x5x80xi32, #tpu.memory_space<hbm>>) dst(%dma_wait3A_248 : memref<2x5x80xi32, #tpu.memory_space<vmem>>)
          } else {
          }
          %rem3A_218 = arith.constant 3 : i32
          %rem3A_219 = arith.remsi %div3A_207, %rem3A_218 : i32
          %rem3A_220 = arith.constant 4 : i32
          %rem3A_221 = arith.remsi %add3A_205, %rem3A_220 : i32
          %dma_start3A_222 = arith.constant 0 : i32
          %dma_start3A_223 = arith.constant 0 : i32
          %dma_start3A_224 = arith.constant 0 : i32
          %dma_start3A_225 = tpu.memref_slice %arg8[%rem3A_221, %dma_start3A_223, %dma_start3A_224] : memref<4x80x128xf32, #tpu.memory_space<vmem>> -> memref<1x80x128xf32, #tpu.memory_space<vmem>>
          %dma_start3A_226 = tpu.memref_squeeze %dma_start3A_225 : memref<1x80x128xf32, #tpu.memory_space<vmem>> -> memref<80x128xf32, #tpu.memory_space<vmem>>
          %dma_start3A_227 = arith.constant 0 : i32
          %dma_start3A_228 = tpu.memref_slice %arg7[%rem3A_219, %dma_start3A_222, %rem3A_209, %dma_start3A_227] : memref<3x2x5x80xi32, #tpu.memory_space<vmem>> -> memref<1x1x1x80xi32, #tpu.memory_space<vmem>>
          %dma_start3A_229 = tpu.memref_squeeze %dma_start3A_228 : memref<1x1x1x80xi32, #tpu.memory_space<vmem>> -> memref<80xi32, #tpu.memory_space<vmem>>
          %dma_start3A_230 = arith.constant 0 : i32
          %dma_start3A_231 = arith.constant 0 : i32
          %dma_start3A_232 = tpu.memref_slice %arg2[%dma_start3A_230, %dma_start3A_231] : memref<10000x128xf32, #tpu.memory_space<hbm>> -> memref<10000x128xf32, #tpu.memory_space<hbm>>
          tpu.enqueue_indirect_dma source(%dma_start3A_232 : memref<10000x128xf32, #tpu.memory_space<hbm>>) target(%dma_start3A_226 : memref<80x128xf32, #tpu.memory_space<vmem>>) offsets(%dma_start3A_229 : memref<80xi32, #tpu.memory_space<vmem>>) semaphore(%arg11 : memref<!tpu.dma_semaphore, #tpu.memory_space<semaphore_mem>>)
        } else {
        }
      }
      %while3A_92 = arith.constant 1 : i32
      scf.for %while3A_152 = %while3A_90 to %while3A_86 step %while3A_92  : i32 {
        %div3A_153 = arith.constant 5 : i32
        %div3A_154 = arith.divsi %while3A_152, %div3A_153 : i32
        %rem3A_155 = arith.constant 5 : i32
        %rem3A_156 = arith.remsi %while3A_152, %rem3A_155 : i32
        %rem3A_157 = arith.constant 4 : i32
        %rem3A_158 = arith.remsi %while3A_152, %rem3A_157 : i32
        %rem3A_159 = arith.constant 3 : i32
        %rem3A_160 = arith.remsi %div3A_154, %rem3A_159 : i32
        %dma_wait3A_161 = arith.constant 0 : i32
        %dma_wait3A_162 = arith.constant 0 : i32
        %dma_wait3A_163 = tpu.memref_slice %arg8[%rem3A_158, %dma_wait3A_161, %dma_wait3A_162] : memref<4x80x128xf32, #tpu.memory_space<vmem>> -> memref<1x80x128xf32, #tpu.memory_space<vmem>>
        %dma_wait3A_164 = tpu.memref_squeeze %dma_wait3A_163 : memref<1x80x128xf32, #tpu.memory_space<vmem>> -> memref<80x128xf32, #tpu.memory_space<vmem>>
        %dma_wait3A_165 = arith.constant 0 : i32
        %dma_wait3A_166 = arith.constant 0 : i32
        %dma_wait3A_167 = tpu.memref_slice %arg2[%dma_wait3A_165, %dma_wait3A_166] : memref<10000x128xf32, #tpu.memory_space<hbm>> -> memref<80x128xf32, #tpu.memory_space<hbm>>
        %dma_wait3A_168 = arith.constant 0 : i32
        %dma_wait3A_169 = arith.constant 0 : i32
        %dma_wait3A_170 = tpu.memref_slice %arg8[%rem3A_158, %dma_wait3A_168, %dma_wait3A_169] : memref<4x80x128xf32, #tpu.memory_space<vmem>> -> memref<1x80x128xf32, #tpu.memory_space<vmem>>
        %dma_wait3A_171 = tpu.memref_squeeze %dma_wait3A_170 : memref<1x80x128xf32, #tpu.memory_space<vmem>> -> memref<80x128xf32, #tpu.memory_space<vmem>>
        %dma_wait3A_172 = arith.constant 0 : i32
        %dma_wait3A_173 = arith.constant 0 : i32
        %dma_wait3A_174 = tpu.memref_slice %arg2[%dma_wait3A_172, %dma_wait3A_173] : memref<10000x128xf32, #tpu.memory_space<hbm>> -> memref<80x128xf32, #tpu.memory_space<hbm>>
        tpu.wait_dma2 semaphore(%arg11 : memref<!tpu.dma_semaphore, #tpu.memory_space<semaphore_mem>>) src(%dma_wait3A_174 : memref<80x128xf32, #tpu.memory_space<hbm>>) dst(%dma_wait3A_171 : memref<80x128xf32, #tpu.memory_space<vmem>>)
        %dma_start3A_175 = arith.constant 1 : i32
        %dma_start3A_176 = arith.constant 0 : i32
        %dma_start3A_177 = arith.constant 0 : i32
        %dma_start3A_178 = tpu.memref_slice %arg8[%rem3A_158, %dma_start3A_176, %dma_start3A_177] : memref<4x80x128xf32, #tpu.memory_space<vmem>> -> memref<1x80x128xf32, #tpu.memory_space<vmem>>
        %dma_start3A_179 = tpu.memref_squeeze %dma_start3A_178 : memref<1x80x128xf32, #tpu.memory_space<vmem>> -> memref<80x128xf32, #tpu.memory_space<vmem>>
        %dma_start3A_180 = arith.constant 0 : i32
        %dma_start3A_181 = tpu.memref_slice %arg7[%rem3A_160, %dma_start3A_175, %rem3A_156, %dma_start3A_180] : memref<3x2x5x80xi32, #tpu.memory_space<vmem>> -> memref<1x1x1x80xi32, #tpu.memory_space<vmem>>
        %dma_start3A_182 = tpu.memref_squeeze %dma_start3A_181 : memref<1x1x1x80xi32, #tpu.memory_space<vmem>> -> memref<80xi32, #tpu.memory_space<vmem>>
        %dma_start3A_183 = arith.constant 0 : i32
        %dma_start3A_184 = arith.constant 0 : i32
        %dma_start3A_185 = tpu.memref_slice %arg9[%dma_start3A_183, %dma_start3A_184] : memref<10000x128xf32, #tpu.memory_space<vmem_shared>> -> memref<10000x128xf32, #tpu.memory_space<vmem_shared>>
        tpu.enqueue_indirect_dma source(%dma_start3A_179 : memref<80x128xf32, #tpu.memory_space<vmem>>) target(%dma_start3A_185 : memref<10000x128xf32, #tpu.memory_space<vmem_shared>>) offsets(%dma_start3A_182 : memref<80xi32, #tpu.memory_space<vmem>>) semaphore(%arg12 : memref<!tpu.dma_semaphore, #tpu.memory_space<semaphore_mem>>) {add = true}
        %add3A_186 = arith.constant 3 : i32
        %add3A_187 = arith.addi %while3A_152, %add3A_186 : i32
        %lt3A = arith.cmpi slt, %add3A_187, %mul3A_19 : i32
        %convert_element_type3A_188 = arith.extui %lt3A : i1 to i32
        %cond3A_189 = arith.constant 0 : i32
        %cond3A_190 = arith.cmpi ne, %convert_element_type3A_188, %cond3A_189 : i32
        scf.if %cond3A_190 {
          %ge3A = arith.constant 1 : i32
          %ge3A_191 = arith.cmpi sge, %while3A_152, %ge3A : i32
          %convert_element_type3A_192 = arith.extui %ge3A_191 : i1 to i32
          %cond3A_193 = arith.constant 0 : i32
          %cond3A_194 = arith.cmpi ne, %convert_element_type3A_192, %cond3A_193 : i32
          scf.if %cond3A_194 {
            %dma_wait3A_233 = arith.constant 0 : i32
            %dma_wait3A_234 = arith.constant 0 : i32
            %dma_wait3A_235 = arith.constant 0 : i32
            %dma_wait3A_236 = tpu.memref_slice %arg8[%dma_wait3A_233, %dma_wait3A_234, %dma_wait3A_235] : memref<4x80x128xf32, #tpu.memory_space<vmem>> -> memref<1x80x128xf32, #tpu.memory_space<vmem>>
            %dma_wait3A_237 = tpu.memref_squeeze %dma_wait3A_236 : memref<1x80x128xf32, #tpu.memory_space<vmem>> -> memref<80x128xf32, #tpu.memory_space<vmem>>
            %dma_wait3A_238 = arith.constant 0 : i32
            %dma_wait3A_239 = arith.constant 0 : i32
            %dma_wait3A_240 = tpu.memref_slice %arg2[%dma_wait3A_238, %dma_wait3A_239] : memref<10000x128xf32, #tpu.memory_space<hbm>> -> memref<80x128xf32, #tpu.memory_space<hbm>>
            %dma_wait3A_241 = arith.constant 0 : i32
            %dma_wait3A_242 = arith.constant 0 : i32
            %dma_wait3A_243 = tpu.memref_slice %arg8[%dma_wait3A_233, %dma_wait3A_241, %dma_wait3A_242] : memref<4x80x128xf32, #tpu.memory_space<vmem>> -> memref<1x80x128xf32, #tpu.memory_space<vmem>>
            %dma_wait3A_244 = tpu.memref_squeeze %dma_wait3A_243 : memref<1x80x128xf32, #tpu.memory_space<vmem>> -> memref<80x128xf32, #tpu.memory_space<vmem>>
            %dma_wait3A_245 = arith.constant 0 : i32
            %dma_wait3A_246 = arith.constant 0 : i32
            %dma_wait3A_247 = tpu.memref_slice %arg2[%dma_wait3A_245, %dma_wait3A_246] : memref<10000x128xf32, #tpu.memory_space<hbm>> -> memref<80x128xf32, #tpu.memory_space<hbm>>
            tpu.wait_dma2 semaphore(%arg12 : memref<!tpu.dma_semaphore, #tpu.memory_space<semaphore_mem>>) src(%dma_wait3A_247 : memref<80x128xf32, #tpu.memory_space<hbm>>) dst(%dma_wait3A_244 : memref<80x128xf32, #tpu.memory_space<vmem>>)
          } else {
          }
          %eq3A_195 = arith.constant 0 : i32
          %eq3A_196 = arith.cmpi eq, %rem3A_156, %eq3A_195 : i32
          %add3A_197 = arith.constant 2 : i32
          %add3A_198 = arith.addi %div3A_154, %add3A_197 : i32
          %lt3A_199 = arith.cmpi slt, %add3A_198, %add3A_18 : i32
          %and3A_200 = arith.andi %eq3A_196, %lt3A_199 : i1
          %convert_element_type3A_201 = arith.extui %and3A_200 : i1 to i32
          %cond3A_202 = arith.constant 0 : i32
          %cond3A_203 = arith.cmpi ne, %convert_element_type3A_201, %cond3A_202 : i32
          scf.if %cond3A_203 {
            %add3A_233 = arith.constant 2 : i32
            %add3A_234 = arith.addi %div3A_154, %add3A_233 : i32
            %mul3A_235 = arith.constant 16 : i32
            %mul3A_236 = arith.muli %add3A_234, %mul3A_235 : i32
            %add3A_237 = arith.addi %mul3A_236, %arg1 : i32
            %add3A_238 = arith.constant 2 : i32
            %add3A_239 = arith.addi %div3A_154, %add3A_238 : i32
            %rem3A_240 = arith.constant 3 : i32
            %rem3A_241 = arith.remsi %add3A_239, %rem3A_240 : i32
            %dma_start3A_242 = arith.constant 0 : i32
            %dma_start3A_243 = arith.constant 0 : i32
            %dma_start3A_244 = arith.constant 0 : i32
            %dma_start3A_245 = tpu.memref_slice %arg7[%rem3A_241, %dma_start3A_242, %dma_start3A_243, %dma_start3A_244] : memref<3x2x5x80xi32, #tpu.memory_space<vmem>> -> memref<1x2x5x80xi32, #tpu.memory_space<vmem>>
            %dma_start3A_246 = tpu.memref_squeeze %dma_start3A_245 : memref<1x2x5x80xi32, #tpu.memory_space<vmem>> -> memref<2x5x80xi32, #tpu.memory_space<vmem>>
            %dma_start3A_247 = arith.constant 0 : i32
            %dma_start3A_248 = arith.constant 0 : i32
            %dma_start3A_249 = arith.constant 0 : i32
            %dma_start3A_250 = tpu.memref_slice %arg4[%dma_start3A_247, %add3A_237, %dma_start3A_248, %dma_start3A_249] : memref<2x800x5x80xi32, #tpu.memory_space<hbm>> -> memref<2x1x5x80xi32, #tpu.memory_space<hbm>>
            %dma_start3A_251 = tpu.memref_squeeze %dma_start3A_250 : memref<2x1x5x80xi32, #tpu.memory_space<hbm>> -> memref<2x5x80xi32, #tpu.memory_space<hbm>>
            %dma_start3A_252 = arith.constant 0 : i32
            %dma_start3A_253 = arith.constant 0 : i32
            %dma_start3A_254 = arith.constant 0 : i32
            %dma_start3A_255 = tpu.memref_slice %arg7[%rem3A_241, %dma_start3A_252, %dma_start3A_253, %dma_start3A_254] : memref<3x2x5x80xi32, #tpu.memory_space<vmem>> -> memref<1x2x5x80xi32, #tpu.memory_space<vmem>>
            %dma_start3A_256 = tpu.memref_squeeze %dma_start3A_255 : memref<1x2x5x80xi32, #tpu.memory_space<vmem>> -> memref<2x5x80xi32, #tpu.memory_space<vmem>>
            %dma_start3A_257 = arith.constant 0 : i32
            %dma_start3A_258 = arith.constant 0 : i32
            %dma_start3A_259 = arith.constant 0 : i32
            %dma_start3A_260 = tpu.memref_slice %arg4[%dma_start3A_257, %add3A_237, %dma_start3A_258, %dma_start3A_259] : memref<2x800x5x80xi32, #tpu.memory_space<hbm>> -> memref<2x1x5x80xi32, #tpu.memory_space<hbm>>
            %dma_start3A_261 = tpu.memref_squeeze %dma_start3A_260 : memref<2x1x5x80xi32, #tpu.memory_space<hbm>> -> memref<2x5x80xi32, #tpu.memory_space<hbm>>
            tpu.enqueue_dma source(%dma_start3A_261 : memref<2x5x80xi32, #tpu.memory_space<hbm>>) target(%dma_start3A_256 : memref<2x5x80xi32, #tpu.memory_space<vmem>>) target_semaphore(%arg10 : memref<!tpu.dma_semaphore, #tpu.memory_space<semaphore_mem>>)
          } else {
          }
          %add3A_204 = arith.constant 3 : i32
          %add3A_205 = arith.addi %while3A_152, %add3A_204 : i32
          %div3A_206 = arith.constant 5 : i32
          %div3A_207 = arith.divsi %add3A_205, %div3A_206 : i32
          %rem3A_208 = arith.constant 5 : i32
          %rem3A_209 = arith.remsi %add3A_205, %rem3A_208 : i32
          %eq3A_210 = arith.constant 0 : i32
          %eq3A_211 = arith.cmpi eq, %rem3A_209, %eq3A_210 : i32
          %ge3A_212 = arith.constant 2 : i32
          %ge3A_213 = arith.cmpi sge, %div3A_207, %ge3A_212 : i32
          %and3A_214 = arith.andi %eq3A_211, %ge3A_213 : i1
          %convert_element_type3A_215 = arith.extui %and3A_214 : i1 to i32
          %cond3A_216 = arith.constant 0 : i32
          %cond3A_217 = arith.cmpi ne, %convert_element_type3A_215, %cond3A_216 : i32
          scf.if %cond3A_217 {
            %dma_wait3A_233 = arith.constant 0 : i32
            %dma_wait3A_234 = arith.constant 0 : i32
            %dma_wait3A_235 = arith.constant 0 : i32
            %dma_wait3A_236 = arith.constant 0 : i32
            %dma_wait3A_237 = tpu.memref_slice %arg7[%dma_wait3A_233, %dma_wait3A_234, %dma_wait3A_235, %dma_wait3A_236] : memref<3x2x5x80xi32, #tpu.memory_space<vmem>> -> memref<1x2x5x80xi32, #tpu.memory_space<vmem>>
            %dma_wait3A_238 = tpu.memref_squeeze %dma_wait3A_237 : memref<1x2x5x80xi32, #tpu.memory_space<vmem>> -> memref<2x5x80xi32, #tpu.memory_space<vmem>>
            %dma_wait3A_239 = arith.constant 0 : i32
            %dma_wait3A_240 = arith.constant 0 : i32
            %dma_wait3A_241 = arith.constant 0 : i32
            %dma_wait3A_242 = tpu.memref_slice %arg4[%dma_wait3A_239, %arg1, %dma_wait3A_240, %dma_wait3A_241] : memref<2x800x5x80xi32, #tpu.memory_space<hbm>> -> memref<2x1x5x80xi32, #tpu.memory_space<hbm>>
            %dma_wait3A_243 = tpu.memref_squeeze %dma_wait3A_242 : memref<2x1x5x80xi32, #tpu.memory_space<hbm>> -> memref<2x5x80xi32, #tpu.memory_space<hbm>>
            %dma_wait3A_244 = arith.constant 0 : i32
            %dma_wait3A_245 = arith.constant 0 : i32
            %dma_wait3A_246 = arith.constant 0 : i32
            %dma_wait3A_247 = tpu.memref_slice %arg7[%dma_wait3A_233, %dma_wait3A_244, %dma_wait3A_245, %dma_wait3A_246] : memref<3x2x5x80xi32, #tpu.memory_space<vmem>> -> memref<1x2x5x80xi32, #tpu.memory_space<vmem>>
            %dma_wait3A_248 = tpu.memref_squeeze %dma_wait3A_247 : memref<1x2x5x80xi32, #tpu.memory_space<vmem>> -> memref<2x5x80xi32, #tpu.memory_space<vmem>>
            %dma_wait3A_249 = arith.constant 0 : i32
            %dma_wait3A_250 = arith.constant 0 : i32
            %dma_wait3A_251 = arith.constant 0 : i32
            %dma_wait3A_252 = tpu.memref_slice %arg4[%dma_wait3A_249, %arg1, %dma_wait3A_250, %dma_wait3A_251] : memref<2x800x5x80xi32, #tpu.memory_space<hbm>> -> memref<2x1x5x80xi32, #tpu.memory_space<hbm>>
            %dma_wait3A_253 = tpu.memref_squeeze %dma_wait3A_252 : memref<2x1x5x80xi32, #tpu.memory_space<hbm>> -> memref<2x5x80xi32, #tpu.memory_space<hbm>>
            tpu.wait_dma2 semaphore(%arg10 : memref<!tpu.dma_semaphore, #tpu.memory_space<semaphore_mem>>) src(%dma_wait3A_253 : memref<2x5x80xi32, #tpu.memory_space<hbm>>) dst(%dma_wait3A_248 : memref<2x5x80xi32, #tpu.memory_space<vmem>>)
          } else {
          }
          %rem3A_218 = arith.constant 3 : i32
          %rem3A_219 = arith.remsi %div3A_207, %rem3A_218 : i32
          %rem3A_220 = arith.constant 4 : i32
          %rem3A_221 = arith.remsi %add3A_205, %rem3A_220 : i32
          %dma_start3A_222 = arith.constant 0 : i32
          %dma_start3A_223 = arith.constant 0 : i32
          %dma_start3A_224 = arith.constant 0 : i32
          %dma_start3A_225 = tpu.memref_slice %arg8[%rem3A_221, %dma_start3A_223, %dma_start3A_224] : memref<4x80x128xf32, #tpu.memory_space<vmem>> -> memref<1x80x128xf32, #tpu.memory_space<vmem>>
          %dma_start3A_226 = tpu.memref_squeeze %dma_start3A_225 : memref<1x80x128xf32, #tpu.memory_space<vmem>> -> memref<80x128xf32, #tpu.memory_space<vmem>>
          %dma_start3A_227 = arith.constant 0 : i32
          %dma_start3A_228 = tpu.memref_slice %arg7[%rem3A_219, %dma_start3A_222, %rem3A_209, %dma_start3A_227] : memref<3x2x5x80xi32, #tpu.memory_space<vmem>> -> memref<1x1x1x80xi32, #tpu.memory_space<vmem>>
          %dma_start3A_229 = tpu.memref_squeeze %dma_start3A_228 : memref<1x1x1x80xi32, #tpu.memory_space<vmem>> -> memref<80xi32, #tpu.memory_space<vmem>>
          %dma_start3A_230 = arith.constant 0 : i32
          %dma_start3A_231 = arith.constant 0 : i32
          %dma_start3A_232 = tpu.memref_slice %arg2[%dma_start3A_230, %dma_start3A_231] : memref<10000x128xf32, #tpu.memory_space<hbm>> -> memref<10000x128xf32, #tpu.memory_space<hbm>>
          tpu.enqueue_indirect_dma source(%dma_start3A_232 : memref<10000x128xf32, #tpu.memory_space<hbm>>) target(%dma_start3A_226 : memref<80x128xf32, #tpu.memory_space<vmem>>) offsets(%dma_start3A_229 : memref<80xi32, #tpu.memory_space<vmem>>) semaphore(%arg11 : memref<!tpu.dma_semaphore, #tpu.memory_space<semaphore_mem>>)
        } else {
        }
      }
      %dma_wait3A = arith.constant 0 : i32
      %dma_wait3A_93 = arith.constant 0 : i32
      %dma_wait3A_94 = arith.constant 0 : i32
      %dma_wait3A_95 = tpu.memref_slice %arg8[%dma_wait3A, %dma_wait3A_93, %dma_wait3A_94] : memref<4x80x128xf32, #tpu.memory_space<vmem>> -> memref<1x80x128xf32, #tpu.memory_space<vmem>>
      %dma_wait3A_96 = tpu.memref_squeeze %dma_wait3A_95 : memref<1x80x128xf32, #tpu.memory_space<vmem>> -> memref<80x128xf32, #tpu.memory_space<vmem>>
      %dma_wait3A_97 = arith.constant 0 : i32
      %dma_wait3A_98 = arith.constant 0 : i32
      %dma_wait3A_99 = tpu.memref_slice %arg2[%dma_wait3A_97, %dma_wait3A_98] : memref<10000x128xf32, #tpu.memory_space<hbm>> -> memref<80x128xf32, #tpu.memory_space<hbm>>
      %dma_wait3A_100 = arith.constant 0 : i32
      %dma_wait3A_101 = arith.constant 0 : i32
      %dma_wait3A_102 = tpu.memref_slice %arg8[%dma_wait3A, %dma_wait3A_100, %dma_wait3A_101] : memref<4x80x128xf32, #tpu.memory_space<vmem>> -> memref<1x80x128xf32, #tpu.memory_space<vmem>>
      %dma_wait3A_103 = tpu.memref_squeeze %dma_wait3A_102 : memref<1x80x128xf32, #tpu.memory_space<vmem>> -> memref<80x128xf32, #tpu.memory_space<vmem>>
      %dma_wait3A_104 = arith.constant 0 : i32
      %dma_wait3A_105 = arith.constant 0 : i32
      %dma_wait3A_106 = tpu.memref_slice %arg2[%dma_wait3A_104, %dma_wait3A_105] : memref<10000x128xf32, #tpu.memory_space<hbm>> -> memref<80x128xf32, #tpu.memory_space<hbm>>
      tpu.wait_dma2 semaphore(%arg12 : memref<!tpu.dma_semaphore, #tpu.memory_space<semaphore_mem>>) src(%dma_wait3A_106 : memref<80x128xf32, #tpu.memory_space<hbm>>) dst(%dma_wait3A_103 : memref<80x128xf32, #tpu.memory_space<vmem>>)
      %dma_wait3A_107 = arith.constant 0 : i32
      %dma_wait3A_108 = arith.constant 0 : i32
      %dma_wait3A_109 = arith.constant 0 : i32
      %dma_wait3A_110 = tpu.memref_slice %arg8[%dma_wait3A_107, %dma_wait3A_108, %dma_wait3A_109] : memref<4x80x128xf32, #tpu.memory_space<vmem>> -> memref<1x80x128xf32, #tpu.memory_space<vmem>>
      %dma_wait3A_111 = tpu.memref_squeeze %dma_wait3A_110 : memref<1x80x128xf32, #tpu.memory_space<vmem>> -> memref<80x128xf32, #tpu.memory_space<vmem>>
      %dma_wait3A_112 = arith.constant 0 : i32
      %dma_wait3A_113 = arith.constant 0 : i32
      %dma_wait3A_114 = tpu.memref_slice %arg2[%dma_wait3A_112, %dma_wait3A_113] : memref<10000x128xf32, #tpu.memory_space<hbm>> -> memref<80x128xf32, #tpu.memory_space<hbm>>
      %dma_wait3A_115 = arith.constant 0 : i32
      %dma_wait3A_116 = arith.constant 0 : i32
      %dma_wait3A_117 = tpu.memref_slice %arg8[%dma_wait3A_107, %dma_wait3A_115, %dma_wait3A_116] : memref<4x80x128xf32, #tpu.memory_space<vmem>> -> memref<1x80x128xf32, #tpu.memory_space<vmem>>
      %dma_wait3A_118 = tpu.memref_squeeze %dma_wait3A_117 : memref<1x80x128xf32, #tpu.memory_space<vmem>> -> memref<80x128xf32, #tpu.memory_space<vmem>>
      %dma_wait3A_119 = arith.constant 0 : i32
      %dma_wait3A_120 = arith.constant 0 : i32
      %dma_wait3A_121 = tpu.memref_slice %arg2[%dma_wait3A_119, %dma_wait3A_120] : memref<10000x128xf32, #tpu.memory_space<hbm>> -> memref<80x128xf32, #tpu.memory_space<hbm>>
      tpu.wait_dma2 semaphore(%arg12 : memref<!tpu.dma_semaphore, #tpu.memory_space<semaphore_mem>>) src(%dma_wait3A_121 : memref<80x128xf32, #tpu.memory_space<hbm>>) dst(%dma_wait3A_118 : memref<80x128xf32, #tpu.memory_space<vmem>>)
      %dma_wait3A_122 = arith.constant 0 : i32
      %dma_wait3A_123 = arith.constant 0 : i32
      %dma_wait3A_124 = arith.constant 0 : i32
      %dma_wait3A_125 = tpu.memref_slice %arg8[%dma_wait3A_122, %dma_wait3A_123, %dma_wait3A_124] : memref<4x80x128xf32, #tpu.memory_space<vmem>> -> memref<1x80x128xf32, #tpu.memory_space<vmem>>
      %dma_wait3A_126 = tpu.memref_squeeze %dma_wait3A_125 : memref<1x80x128xf32, #tpu.memory_space<vmem>> -> memref<80x128xf32, #tpu.memory_space<vmem>>
      %dma_wait3A_127 = arith.constant 0 : i32
      %dma_wait3A_128 = arith.constant 0 : i32
      %dma_wait3A_129 = tpu.memref_slice %arg2[%dma_wait3A_127, %dma_wait3A_128] : memref<10000x128xf32, #tpu.memory_space<hbm>> -> memref<80x128xf32, #tpu.memory_space<hbm>>
      %dma_wait3A_130 = arith.constant 0 : i32
      %dma_wait3A_131 = arith.constant 0 : i32
      %dma_wait3A_132 = tpu.memref_slice %arg8[%dma_wait3A_122, %dma_wait3A_130, %dma_wait3A_131] : memref<4x80x128xf32, #tpu.memory_space<vmem>> -> memref<1x80x128xf32, #tpu.memory_space<vmem>>
      %dma_wait3A_133 = tpu.memref_squeeze %dma_wait3A_132 : memref<1x80x128xf32, #tpu.memory_space<vmem>> -> memref<80x128xf32, #tpu.memory_space<vmem>>
      %dma_wait3A_134 = arith.constant 0 : i32
      %dma_wait3A_135 = arith.constant 0 : i32
      %dma_wait3A_136 = tpu.memref_slice %arg2[%dma_wait3A_134, %dma_wait3A_135] : memref<10000x128xf32, #tpu.memory_space<hbm>> -> memref<80x128xf32, #tpu.memory_space<hbm>>
      tpu.wait_dma2 semaphore(%arg12 : memref<!tpu.dma_semaphore, #tpu.memory_space<semaphore_mem>>) src(%dma_wait3A_136 : memref<80x128xf32, #tpu.memory_space<hbm>>) dst(%dma_wait3A_133 : memref<80x128xf32, #tpu.memory_space<vmem>>)
      %dma_wait3A_137 = arith.constant 0 : i32
      %dma_wait3A_138 = arith.constant 0 : i32
      %dma_wait3A_139 = arith.constant 0 : i32
      %dma_wait3A_140 = tpu.memref_slice %arg8[%dma_wait3A_137, %dma_wait3A_138, %dma_wait3A_139] : memref<4x80x128xf32, #tpu.memory_space<vmem>> -> memref<1x80x128xf32, #tpu.memory_space<vmem>>
      %dma_wait3A_141 = tpu.memref_squeeze %dma_wait3A_140 : memref<1x80x128xf32, #tpu.memory_space<vmem>> -> memref<80x128xf32, #tpu.memory_space<vmem>>
      %dma_wait3A_142 = arith.constant 0 : i32
      %dma_wait3A_143 = arith.constant 0 : i32
      %dma_wait3A_144 = tpu.memref_slice %arg2[%dma_wait3A_142, %dma_wait3A_143] : memref<10000x128xf32, #tpu.memory_space<hbm>> -> memref<80x128xf32, #tpu.memory_space<hbm>>
      %dma_wait3A_145 = arith.constant 0 : i32
      %dma_wait3A_146 = arith.constant 0 : i32
      %dma_wait3A_147 = tpu.memref_slice %arg8[%dma_wait3A_137, %dma_wait3A_145, %dma_wait3A_146] : memref<4x80x128xf32, #tpu.memory_space<vmem>> -> memref<1x80x128xf32, #tpu.memory_space<vmem>>
      %dma_wait3A_148 = tpu.memref_squeeze %dma_wait3A_147 : memref<1x80x128xf32, #tpu.memory_space<vmem>> -> memref<80x128xf32, #tpu.memory_space<vmem>>
      %dma_wait3A_149 = arith.constant 0 : i32
      %dma_wait3A_150 = arith.constant 0 : i32
      %dma_wait3A_151 = tpu.memref_slice %arg2[%dma_wait3A_149, %dma_wait3A_150] : memref<10000x128xf32, #tpu.memory_space<hbm>> -> memref<80x128xf32, #tpu.memory_space<hbm>>
      tpu.wait_dma2 semaphore(%arg12 : memref<!tpu.dma_semaphore, #tpu.memory_space<semaphore_mem>>) src(%dma_wait3A_151 : memref<80x128xf32, #tpu.memory_space<hbm>>) dst(%dma_wait3A_148 : memref<80x128xf32, #tpu.memory_space<vmem>>)
    } else {
    }
    %barrier3A = arith.constant 0 : index
    tpu.barrier barrier_id(%barrier3A)
    "tpu.region"() ({
      %run_scoped3A = tpu.sem_alloc : memref<!tpu.dma_semaphore, #tpu.memory_space<semaphore_mem>>
      %dma_start3A = arith.constant 0 : i32
      %dma_start3A_39 = tpu.memref_slice %arg6[%arg0, %mul3A_21, %dma_start3A] : memref<2x10000x128xf32, #tpu.memory_space<hbm>> -> memref<1x624x128xf32, #tpu.memory_space<hbm>>
      %dma_start3A_40 = tpu.memref_squeeze %dma_start3A_39 : memref<1x624x128xf32, #tpu.memory_space<hbm>> -> memref<624x128xf32, #tpu.memory_space<hbm>>
      %dma_start3A_41 = arith.constant 0 : i32
      %dma_start3A_42 = tpu.memref_slice %arg9[%mul3A_21, %dma_start3A_41] : memref<10000x128xf32, #tpu.memory_space<vmem_shared>> -> memref<624x128xf32, #tpu.memory_space<vmem_shared>>
      tpu.enqueue_dma source(%dma_start3A_42 : memref<624x128xf32, #tpu.memory_space<vmem_shared>>) target(%dma_start3A_40 : memref<624x128xf32, #tpu.memory_space<hbm>>) target_semaphore(%run_scoped3A : memref<!tpu.dma_semaphore, #tpu.memory_space<semaphore_mem>>)
      %dma_wait3A = arith.constant 0 : i32
      %dma_wait3A_43 = tpu.memref_slice %arg6[%arg0, %mul3A_21, %dma_wait3A] : memref<2x10000x128xf32, #tpu.memory_space<hbm>> -> memref<1x624x128xf32, #tpu.memory_space<hbm>>
      %dma_wait3A_44 = tpu.memref_squeeze %dma_wait3A_43 : memref<1x624x128xf32, #tpu.memory_space<hbm>> -> memref<624x128xf32, #tpu.memory_space<hbm>>
      %dma_wait3A_45 = arith.constant 0 : i32
      %dma_wait3A_46 = tpu.memref_slice %arg9[%mul3A_21, %dma_wait3A_45] : memref<10000x128xf32, #tpu.memory_space<vmem_shared>> -> memref<624x128xf32, #tpu.memory_space<vmem_shared>>
      tpu.wait_dma2 semaphore(%run_scoped3A : memref<!tpu.dma_semaphore, #tpu.memory_space<semaphore_mem>>) src(%dma_wait3A_46 : memref<624x128xf32, #tpu.memory_space<vmem_shared>>) dst(%dma_wait3A_44 : memref<624x128xf32, #tpu.memory_space<hbm>>)
      tpu.yield
    }) : () -> ()
    %eq3A_34 = arith.constant 15 : i32
    %eq3A_35 = arith.cmpi eq, %arg1, %eq3A_34 : i32
    %convert_element_type3A_36 = arith.extui %eq3A_35 : i1 to i32
    %cond3A_37 = arith.constant 0 : i32
    %cond3A_38 = arith.cmpi ne, %convert_element_type3A_36, %cond3A_37 : i32
    scf.if %cond3A_38 {
      "tpu.region"() ({
        %run_scoped3A = tpu.sem_alloc : memref<!tpu.dma_semaphore, #tpu.memory_space<semaphore_mem>>
        %dma_start3A = arith.constant 9984 : i32
        %dma_start3A_39 = arith.constant 0 : i32
        %dma_start3A_40 = tpu.memref_slice %arg6[%arg0, %dma_start3A, %dma_start3A_39] : memref<2x10000x128xf32, #tpu.memory_space<hbm>> -> memref<1x16x128xf32, #tpu.memory_space<hbm>>
        %dma_start3A_41 = tpu.memref_squeeze %dma_start3A_40 : memref<1x16x128xf32, #tpu.memory_space<hbm>> -> memref<16x128xf32, #tpu.memory_space<hbm>>
        %dma_start3A_42 = arith.constant 9984 : i32
        %dma_start3A_43 = arith.constant 0 : i32
        %dma_start3A_44 = tpu.memref_slice %arg9[%dma_start3A_42, %dma_start3A_43] : memref<10000x128xf32, #tpu.memory_space<vmem_shared>> -> memref<16x128xf32, #tpu.memory_space<vmem_shared>>
        tpu.enqueue_dma source(%dma_start3A_44 : memref<16x128xf32, #tpu.memory_space<vmem_shared>>) target(%dma_start3A_41 : memref<16x128xf32, #tpu.memory_space<hbm>>) target_semaphore(%run_scoped3A : memref<!tpu.dma_semaphore, #tpu.memory_space<semaphore_mem>>)
        %dma_wait3A = arith.constant 9984 : i32
        %dma_wait3A_45 = arith.constant 0 : i32
        %dma_wait3A_46 = tpu.memref_slice %arg6[%arg0, %dma_wait3A, %dma_wait3A_45] : memref<2x10000x128xf32, #tpu.memory_space<hbm>> -> memref<1x16x128xf32, #tpu.memory_space<hbm>>
        %dma_wait3A_47 = tpu.memref_squeeze %dma_wait3A_46 : memref<1x16x128xf32, #tpu.memory_space<hbm>> -> memref<16x128xf32, #tpu.memory_space<hbm>>
        %dma_wait3A_48 = arith.constant 9984 : i32
        %dma_wait3A_49 = arith.constant 0 : i32
        %dma_wait3A_50 = tpu.memref_slice %arg9[%dma_wait3A_48, %dma_wait3A_49] : memref<10000x128xf32, #tpu.memory_space<vmem_shared>> -> memref<16x128xf32, #tpu.memory_space<vmem_shared>>
        tpu.wait_dma2 semaphore(%run_scoped3A : memref<!tpu.dma_semaphore, #tpu.memory_space<semaphore_mem>>) src(%dma_wait3A_50 : memref<16x128xf32, #tpu.memory_space<vmem_shared>>) dst(%dma_wait3A_47 : memref<16x128xf32, #tpu.memory_space<hbm>>)
        tpu.yield
      }) : () -> ()
    } else {
    }
    return
  }
}

module attributes {stable_mosaic.version = 14 : i64} {
  func.func @_tc_epilogue_body(%arg0: i32, %arg1: memref<2000x128xf32, #tpu.memory_space<vmem>>, %arg2: memref<2000x128xf32, #tpu.memory_space<vmem>>, %arg3: memref<2000x128xf32, #tpu.memory_space<vmem>>, %arg4: memref<2000x128xf32, #tpu.memory_space<vmem>>, %arg5: memref<128x128xf32, #tpu.memory_space<vmem>>, %arg6: memref<128x128xf32, #tpu.memory_space<vmem>>, %arg7: memref<1x128xf32, #tpu.memory_space<vmem>>, %arg8: memref<128x128xf32, #tpu.memory_space<vmem>>, %arg9: memref<128x128xf32, #tpu.memory_space<vmem>>, %arg10: memref<1x128xf32, #tpu.memory_space<vmem>>, %arg11: memref<128x512xbf16, #tpu.memory_space<vmem>>, %arg12: memref<128x512xbf16, #tpu.memory_space<vmem>>, %arg13: memref<1x512xf32, #tpu.memory_space<vmem>>, %arg14: memref<512x256xbf16, #tpu.memory_space<vmem>>, %arg15: memref<1x256xf32, #tpu.memory_space<vmem>>, %arg16: memref<1x256xf32, #tpu.memory_space<vmem>>, %arg17: memref<1x1xf32, #tpu.memory_space<vmem>>, %arg18: memref<2000x1xf32, #tpu.memory_space<vmem>>) attributes {dimension_semantics = [#tpu.dimension_semantics<arbitrary>], iteration_bounds = array<i64: 5>, scalar_prefetch = 0 : i64, scratch_operands = 0 : i64, tpu.core_type = #tpu.core_type<tc>, window_params = [{transform_indices = @transform_0, window_bounds = array<i64: 2000, 128>}, {transform_indices = @transform_1, window_bounds = array<i64: 2000, 128>}, {transform_indices = @transform_2, window_bounds = array<i64: 2000, 128>}, {transform_indices = @transform_3, window_bounds = array<i64: 2000, 128>}, {pipeline_mode = #tpu.pipeline_mode<synchronous>, transform_indices = @transform_4, window_bounds = array<i64: 128, 128>}, {pipeline_mode = #tpu.pipeline_mode<synchronous>, transform_indices = @transform_5, window_bounds = array<i64: 128, 128>}, {pipeline_mode = #tpu.pipeline_mode<synchronous>, transform_indices = @transform_6, window_bounds = array<i64: 1, 128>}, {pipeline_mode = #tpu.pipeline_mode<synchronous>, transform_indices = @transform_7, window_bounds = array<i64: 128, 128>}, {pipeline_mode = #tpu.pipeline_mode<synchronous>, transform_indices = @transform_8, window_bounds = array<i64: 128, 128>}, {pipeline_mode = #tpu.pipeline_mode<synchronous>, transform_indices = @transform_9, window_bounds = array<i64: 1, 128>}, {pipeline_mode = #tpu.pipeline_mode<synchronous>, transform_indices = @transform_10, window_bounds = array<i64: 128, 512>}, {pipeline_mode = #tpu.pipeline_mode<synchronous>, transform_indices = @transform_11, window_bounds = array<i64: 128, 512>}, {pipeline_mode = #tpu.pipeline_mode<synchronous>, transform_indices = @transform_12, window_bounds = array<i64: 1, 512>}, {pipeline_mode = #tpu.pipeline_mode<synchronous>, transform_indices = @transform_13, window_bounds = array<i64: 512, 256>}, {pipeline_mode = #tpu.pipeline_mode<synchronous>, transform_indices = @transform_14, window_bounds = array<i64: 1, 256>}, {pipeline_mode = #tpu.pipeline_mode<synchronous>, transform_indices = @transform_15, window_bounds = array<i64: 1, 256>}, {pipeline_mode = #tpu.pipeline_mode<synchronous>, transform_indices = @transform_16, window_bounds = array<i64: 1, 1>}, {transform_indices = @transform_17, window_bounds = array<i64: 2000, 1>}]} {
    %get3A = arith.constant 0 : index
    %get3A_0 = arith.constant 0 : index
    %get3A_1 = vector.load %arg1[%get3A, %get3A_0] : memref<2000x128xf32, #tpu.memory_space<vmem>>, vector<2000x128xf32>
    %get3A_2 = arith.constant 0 : index
    %get3A_3 = arith.constant 0 : index
    %get3A_4 = vector.load %arg5[%get3A_2, %get3A_3] : memref<128x128xf32, #tpu.memory_space<vmem>>, vector<128x128xf32>
    %dot_general3A = arith.constant dense<0.000000e+00> : vector<2000x128xf32>
    %dot_general3A_5 = tpu.matmul %get3A_1, %get3A_4, %dot_general3A {dimension_numbers = #tpu.dot_dimension_numbers<[1], [0], [0], [1], [0, 0, 1, 1], [], []>, transpose_lhs_hint = false} : vector<2000x128xf32>, vector<128x128xf32>, vector<2000x128xf32> -> vector<2000x128xf32>
    %get3A_6 = arith.constant 0 : index
    %get3A_7 = arith.constant 0 : index
    %get3A_8 = vector.load %arg2[%get3A_6, %get3A_7] : memref<2000x128xf32, #tpu.memory_space<vmem>>, vector<2000x128xf32>
    %get3A_9 = arith.constant 0 : index
    %get3A_10 = arith.constant 0 : index
    %get3A_11 = vector.load %arg6[%get3A_9, %get3A_10] : memref<128x128xf32, #tpu.memory_space<vmem>>, vector<128x128xf32>
    %dot_general3A_12 = arith.constant dense<0.000000e+00> : vector<2000x128xf32>
    %dot_general3A_13 = tpu.matmul %get3A_8, %get3A_11, %dot_general3A_12 {dimension_numbers = #tpu.dot_dimension_numbers<[1], [0], [0], [1], [0, 0, 1, 1], [], []>, transpose_lhs_hint = false} : vector<2000x128xf32>, vector<128x128xf32>, vector<2000x128xf32> -> vector<2000x128xf32>
    %add3A = arith.addf %dot_general3A_5, %dot_general3A_13 : vector<2000x128xf32>
    %get3A_14 = arith.constant 0 : index
    %get3A_15 = arith.constant 0 : index
    %get3A_16 = vector.load %arg7[%get3A_14, %get3A_15] : memref<1x128xf32, #tpu.memory_space<vmem>>, vector<1x128xf32>
    %add3A_17 = vector.broadcast %get3A_16 : vector<1x128xf32> to vector<2000x128xf32>
    %add3A_18 = arith.addf %add3A, %add3A_17 : vector<2000x128xf32>
    %max3A = arith.constant 0.000000e+00 : f32
    %max3A_19 = vector.broadcast %max3A : f32 to vector<2000x128xf32>
    %max3A_20 = arith.maximumf %add3A_18, %max3A_19 : vector<2000x128xf32>
    %get3A_21 = arith.constant 0 : index
    %get3A_22 = arith.constant 0 : index
    %get3A_23 = vector.load %arg3[%get3A_21, %get3A_22] : memref<2000x128xf32, #tpu.memory_space<vmem>>, vector<2000x128xf32>
    %get3A_24 = arith.constant 0 : index
    %get3A_25 = arith.constant 0 : index
    %get3A_26 = vector.load %arg8[%get3A_24, %get3A_25] : memref<128x128xf32, #tpu.memory_space<vmem>>, vector<128x128xf32>
    %dot_general3A_27 = arith.constant dense<0.000000e+00> : vector<2000x128xf32>
    %dot_general3A_28 = tpu.matmul %get3A_23, %get3A_26, %dot_general3A_27 {dimension_numbers = #tpu.dot_dimension_numbers<[1], [0], [0], [1], [0, 0, 1, 1], [], []>, transpose_lhs_hint = false} : vector<2000x128xf32>, vector<128x128xf32>, vector<2000x128xf32> -> vector<2000x128xf32>
    %get3A_29 = arith.constant 0 : index
    %get3A_30 = arith.constant 0 : index
    %get3A_31 = vector.load %arg4[%get3A_29, %get3A_30] : memref<2000x128xf32, #tpu.memory_space<vmem>>, vector<2000x128xf32>
    %get3A_32 = arith.constant 0 : index
    %get3A_33 = arith.constant 0 : index
    %get3A_34 = vector.load %arg9[%get3A_32, %get3A_33] : memref<128x128xf32, #tpu.memory_space<vmem>>, vector<128x128xf32>
    %dot_general3A_35 = arith.constant dense<0.000000e+00> : vector<2000x128xf32>
    %dot_general3A_36 = tpu.matmul %get3A_31, %get3A_34, %dot_general3A_35 {dimension_numbers = #tpu.dot_dimension_numbers<[1], [0], [0], [1], [0, 0, 1, 1], [], []>, transpose_lhs_hint = false} : vector<2000x128xf32>, vector<128x128xf32>, vector<2000x128xf32> -> vector<2000x128xf32>
    %add3A_37 = arith.addf %dot_general3A_28, %dot_general3A_36 : vector<2000x128xf32>
    %get3A_38 = arith.constant 0 : index
    %get3A_39 = arith.constant 0 : index
    %get3A_40 = vector.load %arg10[%get3A_38, %get3A_39] : memref<1x128xf32, #tpu.memory_space<vmem>>, vector<1x128xf32>
    %add3A_41 = vector.broadcast %get3A_40 : vector<1x128xf32> to vector<2000x128xf32>
    %add3A_42 = arith.addf %add3A_37, %add3A_41 : vector<2000x128xf32>
    %max3A_43 = arith.constant 0.000000e+00 : f32
    %max3A_44 = vector.broadcast %max3A_43 : f32 to vector<2000x128xf32>
    %max3A_45 = arith.maximumf %add3A_42, %max3A_44 : vector<2000x128xf32>
    %convert_element_type3A = arith.truncf %max3A_20 : vector<2000x128xf32> to vector<2000x128xbf16>
    %get3A_46 = arith.constant 0 : index
    %get3A_47 = arith.constant 0 : index
    %get3A_48 = vector.load %arg11[%get3A_46, %get3A_47] : memref<128x512xbf16, #tpu.memory_space<vmem>>, vector<128x512xbf16>
    %dot_general3A_49 = arith.constant dense<0.000000e+00> : vector<2000x512xf32>
    %dot_general3A_50 = tpu.matmul %convert_element_type3A, %get3A_48, %dot_general3A_49 {dimension_numbers = #tpu.dot_dimension_numbers<[1], [0], [0], [1], [0, 0, 1, 1], [], []>, transpose_lhs_hint = false} : vector<2000x128xbf16>, vector<128x512xbf16>, vector<2000x512xf32> -> vector<2000x512xf32>
    %convert_element_type3A_51 = arith.truncf %max3A_45 : vector<2000x128xf32> to vector<2000x128xbf16>
    %get3A_52 = arith.constant 0 : index
    %get3A_53 = arith.constant 0 : index
    %get3A_54 = vector.load %arg12[%get3A_52, %get3A_53] : memref<128x512xbf16, #tpu.memory_space<vmem>>, vector<128x512xbf16>
    %dot_general3A_55 = arith.constant dense<0.000000e+00> : vector<2000x512xf32>
    %dot_general3A_56 = tpu.matmul %convert_element_type3A_51, %get3A_54, %dot_general3A_55 {dimension_numbers = #tpu.dot_dimension_numbers<[1], [0], [0], [1], [0, 0, 1, 1], [], []>, transpose_lhs_hint = false} : vector<2000x128xbf16>, vector<128x512xbf16>, vector<2000x512xf32> -> vector<2000x512xf32>
    %add3A_57 = arith.addf %dot_general3A_50, %dot_general3A_56 : vector<2000x512xf32>
    %get3A_58 = arith.constant 0 : index
    %get3A_59 = arith.constant 0 : index
    %get3A_60 = vector.load %arg13[%get3A_58, %get3A_59] : memref<1x512xf32, #tpu.memory_space<vmem>>, vector<1x512xf32>
    %add3A_61 = vector.broadcast %get3A_60 : vector<1x512xf32> to vector<2000x512xf32>
    %add3A_62 = arith.addf %add3A_57, %add3A_61 : vector<2000x512xf32>
    %max3A_63 = arith.constant 0.000000e+00 : f32
    %max3A_64 = vector.broadcast %max3A_63 : f32 to vector<2000x512xf32>
    %max3A_65 = arith.maximumf %add3A_62, %max3A_64 : vector<2000x512xf32>
    %convert_element_type3A_66 = arith.truncf %max3A_65 : vector<2000x512xf32> to vector<2000x512xbf16>
    %get3A_67 = arith.constant 0 : index
    %get3A_68 = arith.constant 0 : index
    %get3A_69 = vector.load %arg14[%get3A_67, %get3A_68] : memref<512x256xbf16, #tpu.memory_space<vmem>>, vector<512x256xbf16>
    %dot_general3A_70 = arith.constant dense<0.000000e+00> : vector<2000x256xf32>
    %dot_general3A_71 = tpu.matmul %convert_element_type3A_66, %get3A_69, %dot_general3A_70 {dimension_numbers = #tpu.dot_dimension_numbers<[1], [0], [0], [1], [0, 0, 1, 1], [], []>, transpose_lhs_hint = false} : vector<2000x512xbf16>, vector<512x256xbf16>, vector<2000x256xf32> -> vector<2000x256xf32>
    %get3A_72 = arith.constant 0 : index
    %get3A_73 = arith.constant 0 : index
    %get3A_74 = vector.load %arg15[%get3A_72, %get3A_73] : memref<1x256xf32, #tpu.memory_space<vmem>>, vector<1x256xf32>
    %add3A_75 = vector.broadcast %get3A_74 : vector<1x256xf32> to vector<2000x256xf32>
    %add3A_76 = arith.addf %dot_general3A_71, %add3A_75 : vector<2000x256xf32>
    %max3A_77 = arith.constant 0.000000e+00 : f32
    %max3A_78 = vector.broadcast %max3A_77 : f32 to vector<2000x256xf32>
    %max3A_79 = arith.maximumf %add3A_76, %max3A_78 : vector<2000x256xf32>
    %get3A_80 = arith.constant 0 : index
    %get3A_81 = arith.constant 0 : index
    %get3A_82 = vector.load %arg16[%get3A_80, %get3A_81] : memref<1x256xf32, #tpu.memory_space<vmem>>, vector<1x256xf32>
    %mul3A = vector.broadcast %get3A_82 : vector<1x256xf32> to vector<2000x256xf32>
    %mul3A_83 = arith.mulf %max3A_79, %mul3A : vector<2000x256xf32>
    %reduce_sum3A = arith.constant dense<0.000000e+00> : vector<2000xf32>
    %reduce_sum3A_84 = vector.multi_reduction <add>, %mul3A_83, %reduce_sum3A [1] : vector<2000x256xf32> to vector<2000xf32>
    %broadcast_in_dim3A = vector.shape_cast %reduce_sum3A_84 : vector<2000xf32> to vector<2000x1xf32>
    %get3A_85 = arith.constant 0 : index
    %get3A_86 = arith.constant 0 : index
    %get3A_87 = vector.load %arg17[%get3A_85, %get3A_86] : memref<1x1xf32, #tpu.memory_space<vmem>>, vector<1x1xf32>
    %add3A_88 = vector.broadcast %get3A_87 : vector<1x1xf32> to vector<2000x1xf32>
    %add3A_89 = arith.addf %broadcast_in_dim3A, %add3A_88 : vector<2000x1xf32>
    %swap3A = arith.constant 0 : index
    %swap3A_90 = arith.constant 0 : index
    %swap3A_91 = vector.load %arg18[%swap3A, %swap3A_90] : memref<2000x1xf32, #tpu.memory_space<vmem>>, vector<2000x1xf32>
    tpu.vector_store %arg18[%swap3A, %swap3A_90], %add3A_89 {strides = array<i32>} : memref<2000x1xf32, #tpu.memory_space<vmem>>, vector<2000x1xf32>,
    return
  }
  func.func @transform_0(%arg0: i32) -> (i32, i32) {
    %c0_i32 = arith.constant 0 : i32
    %c0_i32_0 = arith.constant 0 : i32
    return %arg0, %c0_i32 : i32, i32
  }
  func.func @transform_1(%arg0: i32) -> (i32, i32) {
    %c0_i32 = arith.constant 0 : i32
    %c0_i32_0 = arith.constant 0 : i32
    return %arg0, %c0_i32 : i32, i32
  }
  func.func @transform_2(%arg0: i32) -> (i32, i32) {
    %c0_i32 = arith.constant 0 : i32
    %c0_i32_0 = arith.constant 0 : i32
    return %arg0, %c0_i32 : i32, i32
  }
  func.func @transform_3(%arg0: i32) -> (i32, i32) {
    %c0_i32 = arith.constant 0 : i32
    %c0_i32_0 = arith.constant 0 : i32
    return %arg0, %c0_i32 : i32, i32
  }
  func.func @transform_4(%arg0: i32) -> (i32, i32) {
    %c0_i32 = arith.constant 0 : i32
    %c0_i32_0 = arith.constant 0 : i32
    %c0_i32_1 = arith.constant 0 : i32
    return %c0_i32, %c0_i32_0 : i32, i32
  }
  func.func @transform_5(%arg0: i32) -> (i32, i32) {
    %c0_i32 = arith.constant 0 : i32
    %c0_i32_0 = arith.constant 0 : i32
    %c0_i32_1 = arith.constant 0 : i32
    return %c0_i32, %c0_i32_0 : i32, i32
  }
  func.func @transform_6(%arg0: i32) -> (i32, i32) {
    %c0_i32 = arith.constant 0 : i32
    %c0_i32_0 = arith.constant 0 : i32
    %c0_i32_1 = arith.constant 0 : i32
    return %c0_i32, %c0_i32_0 : i32, i32
  }
  func.func @transform_7(%arg0: i32) -> (i32, i32) {
    %c0_i32 = arith.constant 0 : i32
    %c0_i32_0 = arith.constant 0 : i32
    %c0_i32_1 = arith.constant 0 : i32
    return %c0_i32, %c0_i32_0 : i32, i32
  }
  func.func @transform_8(%arg0: i32) -> (i32, i32) {
    %c0_i32 = arith.constant 0 : i32
    %c0_i32_0 = arith.constant 0 : i32
    %c0_i32_1 = arith.constant 0 : i32
    return %c0_i32, %c0_i32_0 : i32, i32
  }
  func.func @transform_9(%arg0: i32) -> (i32, i32) {
    %c0_i32 = arith.constant 0 : i32
    %c0_i32_0 = arith.constant 0 : i32
    %c0_i32_1 = arith.constant 0 : i32
    return %c0_i32, %c0_i32_0 : i32, i32
  }
  func.func @transform_10(%arg0: i32) -> (i32, i32) {
    %c0_i32 = arith.constant 0 : i32
    %c0_i32_0 = arith.constant 0 : i32
    %c0_i32_1 = arith.constant 0 : i32
    return %c0_i32, %c0_i32_0 : i32, i32
  }
  func.func @transform_11(%arg0: i32) -> (i32, i32) {
    %c0_i32 = arith.constant 0 : i32
    %c0_i32_0 = arith.constant 0 : i32
    %c0_i32_1 = arith.constant 0 : i32
    return %c0_i32, %c0_i32_0 : i32, i32
  }
  func.func @transform_12(%arg0: i32) -> (i32, i32) {
    %c0_i32 = arith.constant 0 : i32
    %c0_i32_0 = arith.constant 0 : i32
    %c0_i32_1 = arith.constant 0 : i32
    return %c0_i32, %c0_i32_0 : i32, i32
  }
  func.func @transform_13(%arg0: i32) -> (i32, i32) {
    %c0_i32 = arith.constant 0 : i32
    %c0_i32_0 = arith.constant 0 : i32
    %c0_i32_1 = arith.constant 0 : i32
    return %c0_i32, %c0_i32_0 : i32, i32
  }
  func.func @transform_14(%arg0: i32) -> (i32, i32) {
    %c0_i32 = arith.constant 0 : i32
    %c0_i32_0 = arith.constant 0 : i32
    %c0_i32_1 = arith.constant 0 : i32
    return %c0_i32, %c0_i32_0 : i32, i32
  }
  func.func @transform_15(%arg0: i32) -> (i32, i32) {
    %c0_i32 = arith.constant 0 : i32
    %c0_i32_0 = arith.constant 0 : i32
    %c0_i32_1 = arith.constant 0 : i32
    return %c0_i32, %c0_i32_0 : i32, i32
  }
  func.func @transform_16(%arg0: i32) -> (i32, i32) {
    %c0_i32 = arith.constant 0 : i32
    %c0_i32_0 = arith.constant 0 : i32
    %c0_i32_1 = arith.constant 0 : i32
    return %c0_i32, %c0_i32_0 : i32, i32
  }
  func.func @transform_17(%arg0: i32) -> (i32, i32) {
    %c0_i32 = arith.constant 0 : i32
    %c0_i32_0 = arith.constant 0 : i32
    return %arg0, %c0_i32 : i32, i32
  }
}

</mosaic_0001>

<sc_bundles>
// kernel: kernel.4.cloned.1.call-start
scs
__scs_entry_jumppad:
0x0: {  	(pc) =	sbr.rel $0x88, $3  }
0x1: {  	(tag) =	ssettag $0x0;
	lr =	simm.s32 $0x1  }
0x2: {  	[smem:$0x3F90] =	sst lr;
	_ =	strace $0xD0000000  }
0x3: {  	_ = 	snop  }
0x4: {  	_ = 	snop  }
0x5: {  	_ = 	snop  }
0x6: {  	_ = 	snop  }
0x7: {  	_ = 	snop  }
__scs_overlays_trampoline_lowered:
0x8: {  	[smem:$0x3F9F] =	sst s0  }
0x9: {  	[smem:$0x3FA0] =	sst s1  }
0xa: {  	[smem:$0x3FA1] =	sst s2  }
0xb: {  	[smem:$0x3FA2] =	sst s3  }
0xc: {  	[smem:$0x3FA3] =	sst s4  }
0xd: {  	[smem:$0x3FA4] =	sst s5  }
0xe: {  	[smem:$0x3FA5] =	sst s6  }
0xf: {  	[smem:$0x3FA6] =	sst s7  }
0x10: {  	[smem:$0x3FA7] =	sst s8  }
0x11: {  	[smem:$0x3FA8] =	sst s9;
	s0 =	simm.s32 @!p0 $0x0  }
0x12: {  	s1 =	sld [smem:$0x3F8E];
	s0 =	simm.s32 @p0 $0x1  }
0x13: {  	[smem:$0x3FA9] =	sst s0;
	s0 =	simm.s32 @!p1 $0x0  }
0x14: {  	s2 =	sld [smem:$0x3F8D];
	s0 =	simm.s32 @p1 $0x1  }
0x15: {  	[smem:$0x3FAA] =	sst s0;
	s0 =	simm.s32 @!p2 $0x0  }
0x16: {  	s3 =	sld [smem:$0x3FDB];
	s0 =	simm.s32 @p2 $0x1  }
0x17: {  	s4 =	simm.s32 $0x1BF5;
	[smem:$0x3FAC] =	sst s0  }
0x18: {  	s0 =	sld [smem:$0x3F8F];
	_ =	swait.ge [sflag:s4], $0x0  }
0x19: {  	s7 =	sld [smem:$0x3F90]  }
0x1a: {  	s8 =	sadd.s32 $0xFFFFE003, lr  }
0x1b: {  	s9 =	sadd.s32 $0xFFFFFEF7, lr;
	s5 =	simm.s32 $0xFFFFFFFF;
	p2 =	slt.u32 s8, $0xFFFFF086  }
0x1c: {  	p1 =	slt.u32 s9, $0xF7A;
	s5 =	simm.s32 @!p2 $0x0  }
0x1d: {  	s5 =	simm.s32 @p1 $0x1;
	p0 =	seq.s32 s7, s2  }
0x1e: {  	s7 =	smul.u32 @!p0 $0xF7A, s2;
	p2 =	seq.s32 @!p0 s5, $0x0  }
0x1f: {  	s9 =	smul.u32 $0xF7A, s1;
	s8 =	simm.s32 @!p0 $0x1BF5;
	p2 =	por !p2, p0  }
0x20: {  	[sflag:s8] =	ssyncset.s32 @!p0 $0xFFFFF086;
	s6 =	sadd.s32 @!p0 s3, s7;
	s7 =	simm.s32 @!p0 $0x108  }
0x21: {  	s3 =	sadd.s32 s3, s9;
	s6 =	sadd.s32 @!p0 $0x88, s6;
	s7 =	simm.s32 @p2 $0x1082  }
0x22: {  	[simem:s7], [sflag:s8] =	dma.local @!p0 [hbm:s6], $0xF7A  }
0x23: {  	s9 =	sor.u32 $0xD0000000, s2;
	s6 =	simm.s32 $0x108;
	_ =	swait.ge @!p0 [sflag:s8], $0x0  }
0x24: {  	s3 =	sadd.s32 $0x88, s3;
	s6 =	simm.s32 @!p1 $0x1082;
	[sflag:s4] =	ssyncset.s32 $0xFFFFF086  }
0x25: {  	[simem:s6], [sflag:s4] =	dma.local [hbm:s3], $0xF7A  }
0x26: {  	[smem:$0x3F90] =	sst s1;
	(tag) =	ssettag s2;
	_ =	strace s9  }
0x27: {  	s1 =	sld [smem:$0x3FA0]  }
0x28: {  	s2 =	sld [smem:$0x3FA1]  }
0x29: {  	s4 =	sld [smem:$0x3FA3]  }
0x2a: {  	p0 =	seq.s32 s5, $0x0;
	s5 =	sld [smem:$0x3FA4]  }
0x2b: {  	s6 =	sld [smem:$0x3FA5]  }
0x2c: {  	s7 =	sld [smem:$0x3FA6]  }
0x2d: {  	s3 =	simm.s32 $0x108;
	s8 =	sld [smem:$0x3FA7]  }
0x2e: {  	s3 =	simm.s32 @!p0 $0x1082;
	s9 =	sld [smem:$0x3FA8]  }
0x2f: {  	lr =	sadd.s32 s0, s3;
	s0 =	sld [smem:$0x3F9F]  }
0x30: {  	s3 =	sld [smem:$0x3FA2]  }
0x31: {  	[smem:$0x3FAB] =	sst s10  }
0x32: {  	s10 =	sld [smem:$0x3FA9];
	_ =	sdelay $0x3  }
0x33: {  	p0 =	seq.s32 s10, $0x1;
	s10 =	sld [smem:$0x3FAB];
	_ =	sdelay $0x3  }
0x34: {  	[smem:$0x3FAB] =	sst s10  }
0x35: {  	s10 =	sld [smem:$0x3FAA];
	_ =	sdelay $0x3  }
0x36: {  	p1 =	seq.s32 s10, $0x1;
	s10 =	sld [smem:$0x3FAB];
	_ =	sdelay $0x3  }
0x37: {  	[smem:$0x3FAB] =	sst s10  }
0x38: {  	s10 =	sld [smem:$0x3FAC]  }
0x39: {  	_ = 	snop;
	(pc) =	sbr.ind lr, $3  }
0x3a: {  	_ = 	snop  }
0x3b: {  	_ = 	snop  }
0x3c: {  	p2 =	seq.s32 s10, $0x1;
	s10 =	sld [smem:$0x3FAB]  }
0x3d: {  	_ =	shalt  }
0x3e: {  	_ =	shalt  }
0x3f: {  	_ =	shalt  }
0x40: {  	_ =	shalt  }
0x41: {  	_ =	shalt  }
0x42: {  	_ =	shalt  }
0x43: {  	_ =	shalt  }
0x44: {  	_ =	shalt  }
0x45: {  	_ =	shalt  }
0x46: {  	_ =	shalt  }
0x47: {  	_ =	shalt  }
0x48: {  	_ =	shalt  }
0x49: {  	_ =	shalt  }
0x4a: {  	_ =	shalt  }
0x4b: {  	_ =	shalt  }
0x4c: {  	_ =	shalt  }
0x4d: {  	_ =	shalt  }
0x4e: {  	_ =	shalt  }
0x4f: {  	_ =	shalt  }
0x50: {  	_ =	shalt  }
0x51: {  	_ =	shalt  }
0x52: {  	_ =	shalt  }
0x53: {  	_ =	shalt  }
0x54: {  	_ =	shalt  }
0x55: {  	_ =	shalt  }
0x56: {  	_ =	shalt  }
0x57: {  	_ =	shalt  }
0x58: {  	_ =	shalt  }
0x59: {  	_ =	shalt  }
0x5a: {  	_ =	shalt  }
0x5b: {  	_ =	shalt  }
0x5c: {  	_ =	shalt  }
0x5d: {  	_ =	shalt  }
0x5e: {  	_ =	shalt  }
0x5f: {  	_ =	shalt  }
0x60: {  	_ =	shalt  }
0x61: {  	_ =	shalt  }
0x62: {  	_ =	shalt  }
0x63: {  	_ =	shalt  }
0x64: {  	_ =	shalt  }
0x65: {  	_ =	shalt  }
0x66: {  	_ =	shalt  }
0x67: {  	_ =	shalt  }
0x68: {  	_ =	shalt  }
0x69: {  	_ =	shalt  }
0x6a: {  	_ =	shalt  }
0x6b: {  	_ =	shalt  }
0x6c: {  	_ =	shalt  }
0x6d: {  	_ =	shalt  }
0x6e: {  	_ =	shalt  }
0x6f: {  	_ =	shalt  }
0x70: {  	_ =	shalt  }
0x71: {  	_ =	shalt  }
0x72: {  	_ =	shalt  }
0x73: {  	_ =	shalt  }
0x74: {  	_ =	shalt  }
0x75: {  	_ =	shalt  }
0x76: {  	_ =	shalt  }
0x77: {  	_ =	shalt  }
0x78: {  	_ =	shalt  }
0x79: {  	_ =	shalt  }
0x7a: {  	_ =	shalt  }
0x7b: {  	_ =	shalt  }
0x7c: {  	_ =	shalt  }
0x7d: {  	_ =	shalt  }
0x7e: {  	_ =	shalt  }
0x7f: {  	_ =	shalt  }
0x80: {  	_ =	shalt  }
0x81: {  	_ =	shalt  }
0x82: {  	_ =	shalt  }
0x83: {  	_ =	shalt  }
0x84: {  	_ =	shalt  }
0x85: {  	_ =	shalt  }
0x86: {  	_ =	shalt  }
0x87: {  	_ =	shalt  }
.Lfunc_end0:
.L_simem_size_0:
called_computation_lowered:
.L_overlay_start_0:
0x88: {  	s2 =	sld [smem:$0x3FD9]  }
0x89: {  	s3 =	sld [smem:$0x3FFE];
	_ =	sdelay $0x1  }
0x8a: {  	s1 =	srdreg.scid  }
0x8b: {  	s0 =	sand.u32 $0x1, s1  }
0x8c: {  	s17 =	sshll.u32 s0, $0xA;
	s2 =	sadd.s32 s3, s2  }
0x8d: {  	s2 =	sadd.s32 s2, s17  }
0x8e: {  	[smem:$0x3FB7] =	sst s2  }
0x8f: {  	_ = 	snop  }
0x90: {  	s2 =	sld [smem:$0x3FC9];
	(tm) =	ssettm $0x1  }
0x91: {  	s18 =	sld [smem:$0x3FFB];
	_ =	sdelay $0x3  }
0x92: {  	_ =	strace s18  }
0x93: {  	s3 =	sld [smem:$0x3FFC];
	_ =	sdelay $0x3  }
0x94: {  	_ =	strace s3  }
0x95: {  	s3 =	sld [smem:$0x3FFD];
	_ =	sdelay $0x3  }
0x96: {  	_ =	strace s3  }
0x97: {  	_ =	strace $0x8FFFFFFF  }
0x98: {  	s19 =	sld [smem:$0x3FDB];
	_ =	sdelay $0x1  }
0x99: {  	s4 =	simm.s32 $_scs_section_size  }
0x9a: {  	s5 =	simm.s32 $_size__tile_overlayer_lowered;
	s6 =	simm.s32 $_tile_overlayer_lowered  }
0x9b: {  	s22 =	simm.s32 $0x1BFF;
	s21 =	sshll.u32 s6, $0x1;
	s3 =	sadd.s32 s4, s19  }
0x9c: {  	s7 =	simm.s32 $0x0;
	s20 =	sshll.u32 s5, $0x1;
	s5 =	sadd.s32 s21, s3  }
0x9d: {  	[timem:s7], [sflag:s22] =	dma.local [hbm:s5], s20  }
0x9e: {  	_ =	swait.ge [sflag:s22], s20  }
0x9f: {  	s4 =	ssub.s32 $0x0, s20;
	[sflag:s22] =	ssyncset.done $0x0  }
0xa0: {  	[sflag:s22] =	ssyncadd.s32 s4;
	_ =	sdelay $0x1  }
0xa1: {  	s23 =	simm.s32 $0x1B8B  }
0xa2: {  	_ =	swait.ge [sflag:s23], $0x1  }
0xa3: {  	[sflag:s23] =	ssyncset.done $0x0  }
0xa4: {  	s25 =	simm.s32 $0x1B8E;
	s24 =	sld [smem:$0x3FFE];
	[sflag:s23] =	ssyncadd.s32 $0xFFFFFFFF  }
0xa5: {  	s26 =	simm.s32 $execute0_lowered;
	[smem:$0x3FD2] =	sst s25  }
0xa6: {  	s5 =	sshll.u32 s26, $0x1;
	_ =	strace $0x80000046;
	[dreg:$0x1] =	wrdreg $0xFFFFFFFF  }
0xa7: {  	s28 =	simm.s32 $_size_execute0_lowered;
	s3 =	sadd.s32 s3, s5;
	[dreg:$0x0] =	wrdreg $0x0  }
0xa8: {  	s5 =	sshll.u32 s28, $0x1;
	[dreg:$0x2] =	wrdreg s3  }
0xa9: {  	[dreg:$0x3] =	wrdreg s5  }
0xaa: {  	[dreg:$0x4] =	wrdreg $0xC0  }
0xab: {  	_ =	task [dreg:s7], $0x5FFFF  }
0xac: {  	[dreg:$0x1] =	wrdreg $0xFFFFFFFF  }
0xad: {  	[dreg:$0x0] =	wrdreg $0x60  }
0xae: {  	[dreg:$0x2] =	wrdreg s2  }
0xaf: {  	[dreg:$0x3] =	wrdreg s24  }
0xb0: {  	[dreg:$0x4] =	wrdreg $0xB8000  }
0xb1: {  	[dreg:$0x5] =	wrdreg $0x9  }
0xb2: {  	_ =	task.clear_ibuf [dreg:s7], $0x6FFFF;
	_ =	strace $0x90000046  }
0xb3: {  	s29 =	simm.s32 $0x9;
	_ =	strace $0x80000048  }
0xb4: {  	_ =	swait.ge [sflag:s29], $0x1  }
0xb5: {  	[sflag:s29] =	ssyncadd.s32 $0xFFFFFFFF  }
0xb6: {  	_ =	strace $0x90000048  }
0xb7: {  	_ =	sfence  }
0xb8: {  	s30 =	sld [smem:$0x0];
	_ =	sdelay $0x2  }
0xb9: {  	s31 =	sshll.u32 s1, $0xD;
	s1 =	sshrl.u32 s1, $0x2  }
0xba: {  	s3 =	sand.u32 $0x4000, s31;
	s1 =	sadd.s32 s1, s30  }
0xbb: {  	s0 =	sor.u32 s3, s0;
	s1 =	sshll.u32 s1, $0x11  }
0xbc: {  	s0 =	sor.u32 s1, s0  }
0xbd: {  	s0 =	sadd.s32 $0x8F2B, s0  }
0xbe: {  	[sflag:s0] =	ssyncadd.remote.s32 $0x1  }
0xbf: {  	_ =	sfence.sel $0xFFFF  }
0xc0: {  	[dreg:$0x0] =	wrdreg $0xFFFFFFFF;
	(pc) =	sbr.abs _section_cstart, $3  }
0xc1: {  	[dreg:$0x1] =	wrdreg $0xFFFFFFFF  }
0xc2: {  	_ =	task.clear_ibuf [dreg:s7], $0x2FFFF;
	_ =	strace $0x9FFFFFFF  }
0xc3: {  	(tm) =	ssettm $0x7FFFFFFF  }
tec
execute0_lowered:
.L_overlay_start_1:
0x0: {  	(tag) =	ssettag $0x1  }
0x1: {  	s1 =	rddreg [dreg:$0x0]  }
0x2: {  	s0 =	rddreg [dreg:$0x1]  }
0x3: {  	s2 =	rddreg [dreg:$0x2];
	s4 =	simm.s32 $0x0;
	s3 =	srdreg.scid  }
0x4: {  	s15 =	stileid.u32;
	s22 =	simm.s32 $0x50;
	s28 =	simm.s32 $0x6800  }
0x5: {  	s29 =	simm.s32 $0x2;
	s30 =	simm.s32 $0x3;
	[smem:$0x7FF] =	sst s4  }
0x6: {  	s3 =	sand.u32 $0x1, s3;
	s5 =	sshll.u32 s15, $0x7;
	s8 =	smul.u32 $0x4E000, s15  }
0x7: {  	s25 =	sshll.u32 s15, $0x6;
	s11 =	smul.u32 $0x13800, s15;
	s16 =	sadd.s32 $0x138000, s2  }
0x8: {  	p1 =	sne.s32 s15, $0xF;
	s15 =	simm.s32 $0x4;
	_ =	strace $0x80000047  }
0x9: {  	s6 =	ssub.s32 $0x2, s3;
	s10 =	sadd.s32 s5, s0;
	s5 =	sadd.s32 $0x66400, s0  }
0xa: {  	s0 =	sadd.s32 $0x68C00, s0;
	s9 =	smul.u32 $0x138800, s3;
	p0 =	seq.s32 s3, $0x1  }
0xb: {  	s16 =	sshrl.u32 @!p1 s16, $0x3;
	s7 =	sshrl.u32 s6, $0x1;
	s24 =	sshrl.u32 s8, $0x2  }
0xc: {  	s8 =	sadd.s32 $0x2C00, s10;
	s13 =	ssub.s32 s6, s7;
	s14 =	sadd.s32 s24, s2  }
0xd: {  	s6 =	sor.u32 $0x1C04, s25;
	s7 =	sadd.s32 $0x2400, s10;
	s26 =	sadd.s32 s11, s9  }
.Ltmp0:
0xe: {  	s31 =	sshrl.u32 s9, $0x3;
	s9 =	sadd.s32 $0x34400, s10;
	(pc) =	sbr.rel .LBB2_1-.Ltmp0, $4  }
0xf: {  	s10 =	sadd.s32 $0x34C00, s10;
	s24 =	simm.s32 $0x80;
	s25 =	simm.s32 $0x4000  }
0x10: {  	s3 =	sshrl.u32 s26, $0x3;
	s12 =	sadd.s32 s0, s31;
	s13 =	smax.u32 s13, $0x1  }
0x11: {  	s14 =	sshrl.u32 s14, $0x3;
	s17 =	sadd.s32 $0x19000, s9;
	s20 =	sadd.s32 $0x19000, s10  }
0x12: {  	s26 =	simm.s32 $0x100;
	s11 =	sadd.s32 s0, s3;
	s12 =	sadd.s32 $0x27000, s12  }
.LBB2_10:
0x13: {  	_ =	swait.ge [sflag:s30], $0x2800  }
0x14: {  	[sflag:s30] =	ssyncset.done $0x0  }
0x15: {  	[sflag:s30] =	ssyncadd.s32 $0xFFFFD800  }
0x16: {  	_ =	swait.ge [sflag:s30], $0x2800  }
0x17: {  	[sflag:s30] =	ssyncset.done $0x0  }
0x18: {  	[sflag:s30] =	ssyncadd.s32 $0xFFFFD800  }
0x19: {  	_ =	swait.ge [sflag:s30], $0x2800  }
0x1a: {  	[sflag:s30] =	ssyncset.done $0x0  }
0x1b: {  	[sflag:s30] =	ssyncadd.s32 $0xFFFFD800  }
0x1c: {  	_ =	swait.ge [sflag:s30], $0x2800  }
0x1d: {  	[sflag:s30] =	ssyncset.done $0x0  }
0x1e: {  	[sflag:s30] =	ssyncadd.s32 $0xFFFFD800  }
0x1f: {  	[bflag:$0x0] =	sbarrier.arrive $0xFFFF  }
0x20: {  	[hbm:s11], [sflag:s6] =	dma.local [spmem:s14], $0x2700  }
0x21: {  	s4 =	sadd.s32 $0x1, s4;
	_ =	swait.ge [sflag:s15], $0x2700  }
0x22: {  	p2 =	sne.s32 s4, s13;
	[sflag:s15] =	ssyncset.done $0x0  }
.Ltmp1:
0x23: {  	s0 =	simm.s32 @!p1 $0x4;
	[sflag:s15] =	ssyncadd.s32 $0xFFFFD900;
	(pc) =	sbr.rel @!p2 .LBB2_11-.Ltmp1, $4  }
0x24: {  	[hbm:s12], [sflag:s6] =	dma.local @!p1 [spmem:s16], $0x100  }
0x25: {  	_ =	swait.ge @!p1 [sflag:s0], $0x100  }
0x26: {  	[sflag:s0] =	ssyncset.done @!p1 $0x0  }
0x27: {  	[sflag:s0] =	ssyncadd.s32 @!p1 $0xFFFFFF00  }
.LBB2_1:
0x28: {  	[spmem:s14], [sflag:s6] =	dma.local [hbm:s5], $0x2700  }
0x29: {  	_ =	swait.ge [sflag:s15], $0x2700  }
0x2a: {  	[sflag:s15] =	ssyncset.done $0x0  }
.Ltmp2:
0x2b: {  	s0 =	simm.s32 @!p1 $0x4;
	[sflag:s15] =	ssyncadd.s32 $0xFFFFD900;
	(pc) =	sbr.rel @!p0 .LBB2_2-.Ltmp2, $4  }
0x2c: {  	[spmem:s16], [sflag:s6] =	dma.local @!p1 [hbm:s5], $0x100  }
0x2d: {  	_ =	swait.ge @!p1 [sflag:s0], $0x100  }
0x2e: {  	[sflag:s0] =	ssyncset.done @!p1 $0x0  }
0x2f: {  	s31 =	simm.s32 $0x0;
	[sflag:s0] =	ssyncadd.s32 @!p1 $0xFFFFFF00  }
0x30: {  	[tilespmem:s31], [sflag:$0x4] =	stream.linear.gather [hbm4b:s9+s31], $0x280, $0x38;
	[tilespmem:$0x1F080] =	vst v63  }
0x31: {  	s0 =	simm.s32 $0x400  }
0x32: {  	[tilespmem:s0], [sflag:$0x4] =	stream.linear.gather [hbm4b:s17+s31], $0x280, $0x38;
	[tilespmem:$0x1F080] =	vst v63  }
0x33: {  	_ =	swait.ge [sflag:s15], $0x500  }
0x34: {  	[sflag:s15] =	ssyncset.done $0x0  }
0x35: {  	s19 =	simm.s32 $0x800;
	[sflag:s15] =	ssyncadd.s32 $0xFFFFFB00  }
0x36: {  	[tilespmem:s19], [sflag:$0x4] =	stream.linear.gather [hbm4b:s10+s31], $0x280, $0x38;
	[tilespmem:$0x1F080] =	vst v63  }
0x37: {  	s21 =	simm.s32 $0xC00  }
0x38: {  	[tilespmem:s21], [sflag:$0x4] =	stream.linear.gather [hbm4b:s20+s31], $0x280, $0x38;
	[tilespmem:$0x1F080] =	vst v63  }
0x39: {  	_ =	swait.ge [sflag:s15], $0x500  }
0x3a: {  	[sflag:s15] =	ssyncset.done $0x0  }
0x3b: {  	[sflag:s15] =	ssyncadd.s32 $0xFFFFFB00  }
0x3c: {  	s23 =	simm.s32 $0x1800;
	[bflag:$0x0] =	sbarrier.arrive $0xFFFF  }
0x3d: {  	[tilespmem:s23], [sflag:$0x2] =	stream.indirect.gather [hbm4b:s1+s22], $0x80, s31, s22, $0xb8;
	[tilespmem:$0x1F080] =	vst v63  }
.Ltmp3:
0x3e: {  	_ = 	snop;
	(pc) =	sbr.rel .LBB2_7-.Ltmp3, $4  }
0x3f: {  	_ = 	snop  }
0x40: {  	[tilespmem:s25], [sflag:$0x2] =	stream.indirect.gather [hbm4b:s1+s22], $0x80, s24, s22, $0xb8;
	[tilespmem:$0x1F080] =	vst v63  }
0x41: {  	_ = 	snop  }
0x42: {  	[tilespmem:s28], [sflag:$0x2] =	stream.indirect.gather [hbm4b:s1+s22], $0x80, s26, s22, $0xb8;
	[tilespmem:$0x1F080] =	vst v63  }
.LBB2_9:
0x43: {  	s31 =	sadd.s32 $0x1, s31  }
0x44: {  	p2 =	sne.s32 s31, $0xFA  }
.Ltmp4:
0x45: {  	_ = 	snop;
	(pc) =	sbr.rel @!p2 .LBB2_10-.Ltmp4, $1  }
0x46: {  	_ =	sdelay $0x3  }
.LBB2_7:
0x47: {  	s0 =	smul.u32 $0xCD, s31;
	_ =	sdelay $0x1  }
0x48: {  	s0 =	sshrl.u32 s0, $0xA  }
0x49: {  	s0 =	sand.u32 $0x3F, s0  }
0x4a: {  	s3 =	smul.u32 $0x56, s0;
	_ =	sdelay $0x1  }
0x4b: {  	s18 =	smul.u32 $0x5, s0;
	s3 =	sshrl.u32 s3, $0x8  }
0x4c: {  	s19 =	smul.u32 $0x3, s3  }
0x4d: {  	s23 =	sand.u32 $0x3, s31;
	p2 =	sgt.u32 s31, $0xF6  }
0x4e: {  	s3 =	ssub.s32 s31, s18;
	s18 =	smul.u32 $0xA000, s23;
	s19 =	ssub.s32 s0, s19  }
.Ltmp5:
0x4f: {  	s21 =	sand.u32 $0xF7, s3;
	s19 =	sand.u32 $0xFF, s19;
	(pc) =	sbr.rel @p2 .LBB2_9-.Ltmp5, $4  }
0x50: {  	_ =	swait.ge [sflag:s29], $0x2800;
	s21 =	sshll.u32 s21, $0x7;
	s19 =	sshll.u32 s19, $0xB  }
0x51: {  	[sflag:s29] =	ssyncset.done $0x0;
	s18 =	sshrl.u32 s18, $0x2;
	s19 =	sor.u32 s21, s19  }
0x52: {  	[sflag:s29] =	ssyncadd.s32 $0xFFFFD800;
	s18 =	sadd.s32 $0x1800, s18;
	s19 =	sor.u32 $0x400, s19  }
0x53: {  	[spmem:s2] =	stream.indirect.scatter.add.f32 [tilespmem:s18], [sflag:$0x3], $0x80, s19, s22, $0xb8;
	[tilespmem:$0x1F080] =	vst v63  }
0x54: {  	p2 =	sgt.u32 s31, $0xEF  }
0x55: {  	s3 =	sand.u32 @!p2 $0xFF, s3  }
0x56: {  	p3 =	sne.s32 @!p2 s3, $0x0  }
0x57: {  	p2 =	por p3, p2  }
0x58: {  	s0 =	sadd.s32 @!p2 $0x2, s0  }
0x59: {  	s3 =	smul.u32 @!p2 $0x56, s0  }
0x5a: {  	p3 =	seq.s32 s31, $0x0  }
0x5b: {  	s18 =	simm.s32 @!p3 $0x3;
	s3 =	sshrl.u32 @!p2 s3, $0x8  }
0x5c: {  	s19 =	sadd.s32 $0x3, s31;
	_ =	swait.ge @!p3 [sflag:s18], $0x2800;
	s3 =	smul.u32 @!p2 $0x3, s3  }
0x5d: {  	s23 =	sand.u32 $0xFF, s19;
	[sflag:s18] =	ssyncset.done @!p3 $0x0  }
0x5e: {  	[sflag:s18] =	ssyncadd.s32 @!p3 $0xFFFFD800;
	s18 =	smul.u32 $0xCD, s23;
	s3 =	ssub.s32 @!p2 s0, s3  }
0x5f: {  	s21 =	simm.s32 @!p2 $0x0;
	s0 =	sshll.u32 @!p2 s0, $0xB;
	s3 =	sand.u32 @!p2 $0xFF, s3  }
0x60: {  	s18 =	sshrl.u32 s18, $0xA;
	s0 =	sadd.s32 @!p2 s0, s9;
	s3 =	sshll.u32 @!p2 s3, $0xB  }
0x61: {  	[tilespmem:s3], [sflag:$0x1] =	stream.linear.gather @!p2 [hbm4b:s0+s21], $0x280, $0x38;
	[tilespmem:$0x1F080] =	vst v63  }
0x62: {  	s23 =	smul.u32 $0x5, s18;
	s0 =	sadd.s32 @!p2 $0x19000, s0;
	s3 =	sor.u32 @!p2 $0x400, s3  }
0x63: {  	[tilespmem:s3], [sflag:$0x1] =	stream.linear.gather @!p2 [hbm4b:s0+s21], $0x280, $0x38;
	[tilespmem:$0x1F080] =	vst v63  }
0x64: {  	s0 =	ssub.s32 s19, s23;
	s23 =	smul.u32 $0x56, s18  }
0x65: {  	p2 =	slt.u32 s31, $0x7  }
0x66: {  	s21 =	sand.u32 @!p2 $0xFF, s0;
	s3 =	sshrl.u32 s23, $0x8  }
0x67: {  	s19 =	sand.u32 $0x3, s19;
	p3 =	sne.s32 @!p2 s21, $0x0;
	s3 =	smul.u32 $0x3, s3  }
0x68: {  	s0 =	sand.u32 $0xFF, s0;
	s23 =	smul.u32 $0xA000, s19;
	p2 =	por p3, p2  }
.Ltmp6:
0x69: {  	s21 =	simm.s32 @!p2 $0x1;
	s3 =	ssub.s32 s18, s3;
	(pc) =	sbr.rel .LBB2_9-.Ltmp6, $4  }
0x6a: {  	s0 =	sshll.u32 s0, $0x7;
	_ =	swait.ge @!p2 [sflag:s21], $0x500;
	s3 =	sand.u32 $0xFF, s3  }
0x6b: {  	s18 =	sshrl.u32 s23, $0x2;
	[sflag:s21] =	ssyncset.done @!p2 $0x0;
	s3 =	sshll.u32 s3, $0xB  }
0x6c: {  	s18 =	sadd.s32 $0x1800, s18;
	[sflag:s21] =	ssyncadd.s32 @!p2 $0xFFFFFB00;
	s0 =	sadd.s32 s0, s3  }
0x6d: {  	[tilespmem:s18], [sflag:$0x2] =	stream.indirect.gather [hbm4b:s1+s22], $0x80, s0, s22, $0xb8;
	[tilespmem:$0x1F080] =	vst v63  }
.LBB2_2:
0x6e: {  	[tilespmem:s31], [sflag:$0x4] =	stream.linear.gather [hbm4b:s7+s31], $0x280, $0x38;
	[tilespmem:$0x1F080] =	vst v63  }
0x6f: {  	s0 =	sadd.s32 $0x19000, s7;
	s3 =	simm.s32 $0x400  }
0x70: {  	[tilespmem:s3], [sflag:$0x4] =	stream.linear.gather [hbm4b:s0+s31], $0x280, $0x38;
	[tilespmem:$0x1F080] =	vst v63  }
0x71: {  	_ =	swait.ge [sflag:s15], $0x500  }
0x72: {  	[sflag:s15] =	ssyncset.done $0x0  }
0x73: {  	s18 =	simm.s32 $0x800;
	[sflag:s15] =	ssyncadd.s32 $0xFFFFFB00  }
0x74: {  	[tilespmem:s18], [sflag:$0x4] =	stream.linear.gather [hbm4b:s8+s31], $0x280, $0x38;
	[tilespmem:$0x1F080] =	vst v63  }
0x75: {  	s19 =	sadd.s32 $0x19000, s8;
	s21 =	simm.s32 $0xC00  }
0x76: {  	[tilespmem:s21], [sflag:$0x4] =	stream.linear.gather [hbm4b:s19+s31], $0x280, $0x38;
	[tilespmem:$0x1F080] =	vst v63  }
0x77: {  	_ =	swait.ge [sflag:s15], $0x500  }
0x78: {  	[sflag:s15] =	ssyncset.done $0x0  }
0x79: {  	[sflag:s15] =	ssyncadd.s32 $0xFFFFFB00  }
0x7a: {  	s23 =	simm.s32 $0x1800;
	[bflag:$0x0] =	sbarrier.arrive $0xFFFF  }
0x7b: {  	[tilespmem:s23], [sflag:$0x2] =	stream.indirect.gather [hbm4b:s1+s22], $0x80, s31, s22, $0xb8;
	[tilespmem:$0x1F080] =	vst v63  }
.Ltmp7:
0x7c: {  	_ = 	snop;
	(pc) =	sbr.rel .LBB2_3-.Ltmp7, $4  }
0x7d: {  	_ = 	snop  }
0x7e: {  	[tilespmem:s25], [sflag:$0x2] =	stream.indirect.gather [hbm4b:s1+s22], $0x80, s24, s22, $0xb8;
	[tilespmem:$0x1F080] =	vst v63  }
0x7f: {  	_ = 	snop  }
0x80: {  	[tilespmem:s28], [sflag:$0x2] =	stream.indirect.gather [hbm4b:s1+s22], $0x80, s26, s22, $0xb8;
	[tilespmem:$0x1F080] =	vst v63  }
.LBB2_5:
0x81: {  	s31 =	sadd.s32 $0x1, s31  }
0x82: {  	p2 =	seq.s32 s31, $0xFA  }
.Ltmp8:
0x83: {  	_ = 	snop;
	(pc) =	sbr.rel @p2 .LBB2_10-.Ltmp8, $1  }
0x84: {  	_ =	sdelay $0x3  }
.LBB2_3:
0x85: {  	s0 =	smul.u32 $0xCD, s31;
	_ =	sdelay $0x1  }
0x86: {  	s0 =	sshrl.u32 s0, $0xA  }
0x87: {  	s0 =	sand.u32 $0x3F, s0  }
0x88: {  	s3 =	smul.u32 $0x56, s0;
	_ =	sdelay $0x1  }
0x89: {  	s18 =	smul.u32 $0x5, s0;
	s3 =	sshrl.u32 s3, $0x8  }
0x8a: {  	s19 =	smul.u32 $0x3, s3  }
0x8b: {  	s23 =	sand.u32 $0x3, s31;
	p2 =	sgt.u32 s31, $0xF6  }
0x8c: {  	s3 =	ssub.s32 s31, s18;
	s18 =	smul.u32 $0xA000, s23;
	s19 =	ssub.s32 s0, s19  }
.Ltmp9:
0x8d: {  	s21 =	sand.u32 $0xF7, s3;
	s19 =	sand.u32 $0xFF, s19;
	(pc) =	sbr.rel @p2 .LBB2_5-.Ltmp9, $4  }
0x8e: {  	_ =	swait.ge [sflag:s29], $0x2800;
	s21 =	sshll.u32 s21, $0x7;
	s19 =	sshll.u32 s19, $0xB  }
0x8f: {  	[sflag:s29] =	ssyncset.done $0x0;
	s18 =	sshrl.u32 s18, $0x2;
	s19 =	sor.u32 s21, s19  }
0x90: {  	[sflag:s29] =	ssyncadd.s32 $0xFFFFD800;
	s18 =	sadd.s32 $0x1800, s18;
	s19 =	sor.u32 $0x400, s19  }
0x91: {  	[spmem:s2] =	stream.indirect.scatter.add.f32 [tilespmem:s18], [sflag:$0x3], $0x80, s19, s22, $0xb8;
	[tilespmem:$0x1F080] =	vst v63  }
0x92: {  	p2 =	sgt.u32 s31, $0xEF  }
0x93: {  	s3 =	sand.u32 @!p2 $0xFF, s3  }
0x94: {  	p3 =	sne.s32 @!p2 s3, $0x0  }
0x95: {  	p2 =	por p3, p2  }
0x96: {  	s0 =	sadd.s32 @!p2 $0x2, s0  }
0x97: {  	s3 =	smul.u32 @!p2 $0x56, s0  }
0x98: {  	p3 =	seq.s32 s31, $0x0  }
0x99: {  	s18 =	simm.s32 @!p3 $0x3;
	s3 =	sshrl.u32 @!p2 s3, $0x8  }
0x9a: {  	s19 =	sadd.s32 $0x3, s31;
	_ =	swait.ge @!p3 [sflag:s18], $0x2800;
	s3 =	smul.u32 @!p2 $0x3, s3  }
0x9b: {  	s23 =	sand.u32 $0xFF, s19;
	[sflag:s18] =	ssyncset.done @!p3 $0x0  }
0x9c: {  	[sflag:s18] =	ssyncadd.s32 @!p3 $0xFFFFD800;
	s18 =	smul.u32 $0xCD, s23;
	s3 =	ssub.s32 @!p2 s0, s3  }
0x9d: {  	s21 =	simm.s32 @!p2 $0x0;
	s0 =	sshll.u32 @!p2 s0, $0xB;
	s3 =	sand.u32 @!p2 $0xFF, s3  }
0x9e: {  	s18 =	sshrl.u32 s18, $0xA;
	s0 =	sadd.s32 @!p2 s0, s7;
	s3 =	sshll.u32 @!p2 s3, $0xB  }
0x9f: {  	[tilespmem:s3], [sflag:$0x1] =	stream.linear.gather @!p2 [hbm4b:s0+s21], $0x280, $0x38;
	[tilespmem:$0x1F080] =	vst v63  }
0xa0: {  	s23 =	smul.u32 $0x5, s18;
	s0 =	sadd.s32 @!p2 $0x19000, s0;
	s3 =	sor.u32 @!p2 $0x400, s3  }
0xa1: {  	[tilespmem:s3], [sflag:$0x1] =	stream.linear.gather @!p2 [hbm4b:s0+s21], $0x280, $0x38;
	[tilespmem:$0x1F080] =	vst v63  }
0xa2: {  	s0 =	ssub.s32 s19, s23;
	s23 =	smul.u32 $0x56, s18  }
0xa3: {  	p2 =	slt.u32 s31, $0x7  }
0xa4: {  	s21 =	sand.u32 @!p2 $0xFF, s0;
	s3 =	sshrl.u32 s23, $0x8  }
0xa5: {  	s19 =	sand.u32 $0x3, s19;
	p3 =	sne.s32 @!p2 s21, $0x0;
	s3 =	smul.u32 $0x3, s3  }
0xa6: {  	s0 =	sand.u32 $0xFF, s0;
	s23 =	smul.u32 $0xA000, s19;
	p2 =	por p3, p2  }
.Ltmp10:
0xa7: {  	s21 =	simm.s32 @!p2 $0x1;
	s3 =	ssub.s32 s18, s3;
	(pc) =	sbr.rel .LBB2_5-.Ltmp10, $4  }
0xa8: {  	s0 =	sshll.u32 s0, $0x7;
	_ =	swait.ge @!p2 [sflag:s21], $0x500;
	s3 =	sand.u32 $0xFF, s3  }
0xa9: {  	s18 =	sshrl.u32 s23, $0x2;
	[sflag:s21] =	ssyncset.done @!p2 $0x0;
	s3 =	sshll.u32 s3, $0xB  }
0xaa: {  	s18 =	sadd.s32 $0x1800, s18;
	[sflag:s21] =	ssyncadd.s32 @!p2 $0xFFFFFB00;
	s0 =	sadd.s32 s0, s3  }
0xab: {  	[tilespmem:s18], [sflag:$0x2] =	stream.indirect.gather [hbm4b:s1+s22], $0x80, s0, s22, $0xb8;
	[tilespmem:$0x1F080] =	vst v63  }
.LBB2_11:
0xac: {  	_ =	sfence.sel $0x180000  }
0xad: {  	[bflag:$0x0] =	sbarrier.arrive $0xFFFF  }
0xae: {  	_ =	strace $0x90000047  }
0xaf: {  	s0 =	stileid.u32;
	[bflag:$0x2] =	sbarrier.arrive $0xFFFF  }
0xb0: {  	p0 =	sne.s32 s0, $0x0;
	s0 =	rddreg [dreg:$0x3]  }
0xb1: {  	s0 =	sadd.s32 @!p0 $0x100000, s0  }
0xb2: {  	[sflag:s0] =	ssyncadd.tile.s32 @!p0 $0x1;
	_ =	shalt  }
.Lfunc_end2:
_tile_overlayer_lowered:
.L_overlay_start_2:
0xb3: {  	(tag) =	ssettag $0x2  }
0xb4: {  	s0 =	rddreg [dreg:$0x0];
	s2 =	stileid.u32  }
0xb5: {  	s1 =	rddreg [dreg:$0x1];
	p0 =	sne.s32 s2, $0x0  }
0xb6: {  	s3 =	rddreg [dreg:$0x2];
	[bflag:$0x3] =	sbarrier.arrive $0xFFFF;
	s2 =	simm.s32 @!p0 $0x1C04  }
0xb7: {  	[timem:s3], [sflag:s2] =	dma.local @!p0 [hbm:s0], s1  }
0xb8: {  	s0 =	simm.s32 @!p0 $0x4  }
0xb9: {  	_ =	swait.ge @!p0 [sflag:s0], s1  }
0xba: {  	s1 =	ssub.s32 @!p0 $0x0, s1;
	[sflag:s0] =	ssyncset.done @!p0 $0x0  }
0xbb: {  	[sflag:s0] =	ssyncadd.s32 @!p0 s1  }
0xbc: {  	[bflag:$0x3] =	sbarrier.arrive $0xFFFF  }
0xbd: {  	_ =	shalt  }

</sc_bundles>
